<compile_context>
chip_gen: v7x
topology: tpu7x:2x2x1
jax: 0.10.2.dev20260603
libtpu: 0.0.44.dev20260713+nightly
codegen_flags: <defaults>
</compile_context>

<pallas_src>
import functools

import jax
import jax.numpy as jnp
from jax import lax
from jax.experimental import pallas as pl
from jax.experimental.pallas import tpu as pltpu
from jax.experimental.pallas import tpu_sc as plsc

V = 1024
D = 64
D2 = 2 * D
BATCH = 16
SEQ = 4096
B = BATCH * SEQ
NC, NS = 2, 16
NW = NC * NS
IDS_PER_ROW = 128
ROWS_TOTAL = B // IDS_PER_ROW
SC_STAGES = 2
ROWS_PER_STAGE = 128
B_STAGE = ROWS_PER_STAGE * IDS_PER_ROW
BATCH_STAGE = 4
TC_BATCH0 = 8
MM_C = 4096
ROWS_PER_W = ROWS_PER_STAGE // NW
ROWS_PER_CHUNK = 2
IDS_PER_CHUNK = ROWS_PER_CHUNK * IDS_PER_ROW
CHUNKS = ROWS_PER_W // ROWS_PER_CHUNK
IDS_PER_W = ROWS_PER_W * IDS_PER_ROW
NBUF = 2
SPLIT_BLK = 2048


def _tables_body(inv_t_ref, tab_ref, tab_t_ref):
    ft = inv_t_ref[...]
    ct = jnp.cos(ft)
    st = jnp.sin(ft)
    tab_ref[:, :D] = ct.T
    tab_ref[:, D:] = st.T
    tab_t_ref[:D, :] = ct.astype(jnp.bfloat16)
    tab_t_ref[D:, :] = st.astype(jnp.bfloat16)


def _make_tables(inv_freq):
    return pl.pallas_call(
        _tables_body,
        out_shape=(jax.ShapeDtypeStruct((V, D2), jnp.float32),
                   jax.ShapeDtypeStruct((D2, V), jnp.bfloat16)),
    )(jnp.swapaxes(inv_freq, 0, 1))


def _gather_body(stage, tab, idx_hbm, comb_out, idx_v, buf, gsem0, gsem1,
                 wsem0, wsem1):
    wid = lax.axis_index("s") * NC + lax.axis_index("c")
    base = wid * IDS_PER_W
    row_base = stage * ROWS_PER_STAGE + wid * ROWS_PER_W
    gsems = (gsem0, gsem1)
    wsems = (wsem0, wsem1)

    def outer(g, carry):
        for b in range(NBUF):
            c = g * NBUF + b
            row0 = row_base + c * ROWS_PER_CHUNK
            off = base + c * IDS_PER_CHUNK
            dst = comb_out.at[pl.ds(off, IDS_PER_CHUNK)]

            @pl.when(g >= 1)
            def _():
                pltpu.make_async_copy(buf.at[b], dst, wsems[b]).wait()

            pltpu.sync_copy(idx_hbm.at[pl.ds(row0, ROWS_PER_CHUNK)],
                            idx_v.at[b])
            cps = []
            for j in range(ROWS_PER_CHUNK):
                d = pl.ds(j * IDS_PER_ROW, IDS_PER_ROW)
                cps.append(pltpu.async_copy(
                    tab.at[idx_v.at[b, j]], buf.at[b, d], gsems[b]))
            for cp in cps:
                cp.wait()
            pltpu.async_copy(buf.at[b], dst, wsems[b])
        return carry

    lax.fori_loop(0, CHUNKS // NBUF, outer, 0)

    for b in range(NBUF):
        c = CHUNKS - NBUF + b
        off = base + c * IDS_PER_CHUNK
        dst = comb_out.at[pl.ds(off, IDS_PER_CHUNK)]
        pltpu.make_async_copy(buf.at[b], dst, wsems[b]).wait()


@functools.cache
def _make_gather(stage):
    return pl.kernel(
        functools.partial(_gather_body, stage),
        out_type=jax.ShapeDtypeStruct((B_STAGE, D2), jnp.float32),
        mesh=plsc.VectorSubcoreMesh(core_axis_name="c", subcore_axis_name="s"),
        compiler_params=pltpu.CompilerParams(use_tc_tiling_on_sc=False),
        scratch_types=[
            pltpu.VMEM((NBUF, ROWS_PER_CHUNK, IDS_PER_ROW), jnp.int32),
            pltpu.VMEM((NBUF, IDS_PER_CHUNK, D2), jnp.float32),
            pltpu.SemaphoreType.DMA,
            pltpu.SemaphoreType.DMA,
            pltpu.SemaphoreType.DMA,
            pltpu.SemaphoreType.DMA,
        ],
    )


_BLKS_PER_BATCH = SEQ // SPLIT_BLK


def _split_first_body(comb_ref, cos_ref, sin_ref):
    rows = comb_ref[0]
    cos_ref[0] = rows[:, :D].T
    sin_ref[0] = rows[:, D:].T


def _split_rest_body(comb_ref, cos_in_ref, sin_in_ref, cos_ref, sin_ref):
    del cos_in_ref, sin_in_ref
    rows = comb_ref[0]
    cos_ref[0] = rows[:, :D].T
    sin_ref[0] = rows[:, D:].T


def _out_spec(stage):
    return pl.BlockSpec(
        (1, D, SPLIT_BLK),
        lambda i, _s=stage: (_s * BATCH_STAGE + i // _BLKS_PER_BATCH, 0,
                             i % _BLKS_PER_BATCH))


_COMB_SPEC = pl.BlockSpec(
    (1, SPLIT_BLK, D2),
    lambda i: (i // _BLKS_PER_BATCH, i % _BLKS_PER_BATCH, 0))

_OUT_SHAPE = (jax.ShapeDtypeStruct((BATCH, D, SEQ), jnp.float32),
              jax.ShapeDtypeStruct((BATCH, D, SEQ), jnp.float32))


def _split_stage(stage, comb, cos_t, sin_t):
    comb3 = comb.reshape(BATCH_STAGE, SEQ, D2)
    return pl.pallas_call(
        _split_rest_body,
        grid=(B_STAGE // SPLIT_BLK,),
        in_specs=[
            _COMB_SPEC,
            pl.BlockSpec(memory_space=pl.ANY),
            pl.BlockSpec(memory_space=pl.ANY),
        ],
        out_specs=(_out_spec(stage),) * 2,
        out_shape=_OUT_SHAPE,
        input_output_aliases={1: 0, 2: 1},
    )(comb3, cos_t, sin_t)


def _matmul_body(tab_t_ref, idx_ref, cos_ref, sin_ref):
    idx = idx_ref[0, 0]
    onehot = (lax.broadcasted_iota(jnp.int32, (V, MM_C), 0)
              == idx[None, :]).astype(jnp.bfloat16)
    res = jnp.dot(tab_t_ref[...], onehot,
                  preferred_element_type=jnp.float32)
    cos_ref[0] = res[:D]
    sin_ref[0] = res[D:]


_MM_BLKS = SEQ // MM_C


def _matmul(tab_t, idx3):
    return pl.pallas_call(
        _matmul_body,
        grid=((BATCH - TC_BATCH0) * _MM_BLKS,),
        in_specs=[
            pl.BlockSpec((D2, V), lambda i: (0, 0)),
            pl.BlockSpec((1, 1, MM_C),
                         lambda i: (TC_BATCH0 * _MM_BLKS + i, 0, 0)),
        ],
        out_specs=(pl.BlockSpec(
            (1, D, MM_C),
            lambda i: (TC_BATCH0 + i // _MM_BLKS, 0, i % _MM_BLKS)),) * 2,
        out_shape=_OUT_SHAPE,
    )(tab_t, idx3)


def kernel(x, position_ids, inv_freq):
    tab, tab_t = _make_tables(inv_freq.astype(jnp.float32))
    idx = position_ids.reshape(ROWS_TOTAL, IDS_PER_ROW).astype(jnp.int32)
    idx3 = position_ids.reshape(BATCH * _MM_BLKS, 1, MM_C).astype(jnp.int32)
    combs = [_make_gather(s)(tab, idx) for s in range(SC_STAGES)]
    cos_t, sin_t = _matmul(tab_t, idx3)
    for s in range(SC_STAGES):
        cos_t, sin_t = _split_stage(s, combs[s], cos_t, sin_t)
    return (jnp.swapaxes(cos_t, 1, 2).astype(x.dtype),
            jnp.swapaxes(sin_t, 1, 2).astype(x.dtype))

# --- scband reference (transcript-rebuilt; emitter-appended) ---
"""Pipeline reference for scband-pixtral-rotary-embedding-6081673691413 (READ-ONLY COPY).

The authoritative reference and input builder live on the scoring server;
editing this copy changes nothing except your own understanding.
"""

import jax, jax.numpy as jnp
import numpy as np

HEAD_DIM = 64
ROPE_THETA = 10000.0
IMAGE_SIZE = 512
PATCH_SIZE = 16


def _build_inv_freq():
    mpps = IMAGE_SIZE // PATCH_SIZE
    freqs = 1.0 / (ROPE_THETA ** (np.arange(0, HEAD_DIM, 2).astype(np.float32) / HEAD_DIM))
    h = np.arange(mpps).astype(np.float32)
    w = np.arange(mpps).astype(np.float32)
    freqs_h = np.outer(h, freqs[::2]).astype(np.float32)
    freqs_w = np.outer(w, freqs[1::2]).astype(np.float32)
    inv = np.concatenate(
        [
            np.repeat(freqs_h[:, None, :], mpps, axis=1),
            np.repeat(freqs_w[None, :, :], mpps, axis=0),
        ],
        axis=-1,
    ).reshape(-1, HEAD_DIM // 2)
    inv_freq = np.concatenate([inv, inv], axis=-1)
    return jnp.asarray(inv_freq)


def setup_inputs(seed: int = 0) -> dict:
    key = jax.random.key(seed)
    k1, k2 = jax.random.split(key)
    mpps = IMAGE_SIZE // PATCH_SIZE
    x = jax.random.normal(k1, (16, 4096, HEAD_DIM), dtype=jnp.float32)
    position_ids = jax.random.randint(k2, (16, 4096), 0, mpps * mpps, dtype=jnp.int64 if jax.config.jax_enable_x64 else jnp.int32)
    inv_freq = _build_inv_freq()
    return {"x": x, "position_ids": position_ids, "inv_freq": inv_freq}


def reference(x, position_ids, inv_freq):
    # freqs = self.inv_freq[position_ids]  (embedding gather on precomputed 2D RoPE table)
    freqs = jnp.take(inv_freq, position_ids, axis=0)
    emb = freqs
    cos = jnp.cos(emb)
    sin = jnp.sin(emb)
    return (cos.astype(x.dtype), sin.astype(x.dtype))

if __name__ == "__main__":
    import jax
    _d = setup_inputs()
    print(jax.jit(kernel)(*tuple(_d.values())))

</pallas_src>

<mosaic_0001>
#map = affine_map<(d0, d1) -> (0, 0)>
module attributes {stable_mosaic.version = 14 : i64} {
  func.func @_gather_body(%arg0: i32, %arg1: i32, %arg2: memref<1024x128xf32, #tpu.memory_space<hbm>>, %arg3: memref<512x128xi32, #tpu.memory_space<hbm>>, %arg4: memref<16384x128xf32, #tpu.memory_space<hbm>>, %arg5: memref<2x2x128xi32, #tpu.memory_space<vmem>>, %arg6: memref<2x256x128xf32, #tpu.memory_space<vmem>>, %arg7: memref<!tpu.dma_semaphore, #tpu.memory_space<semaphore_mem>>, %arg8: memref<!tpu.dma_semaphore, #tpu.memory_space<semaphore_mem>>, %arg9: memref<!tpu.dma_semaphore, #tpu.memory_space<semaphore_mem>>, %arg10: memref<!tpu.dma_semaphore, #tpu.memory_space<semaphore_mem>>) attributes {dimension_semantics = [#tpu.dimension_semantics<core_parallel>, #tpu.dimension_semantics<subcore_parallel>], iteration_bounds = array<i64: 2, 16>, scalar_prefetch = 0 : i64, scratch_operands = 6 : i64, tpu.core_type = #tpu.core_type<sc_vector_subcore>, window_params = [{transform_indices = #map}, {transform_indices = #map}, {transform_indices = #map}]} {
    %mul3A = arith.constant 2 : i32
    %mul3A_0 = arith.muli %arg1, %mul3A : i32
    %add3A = arith.addi %mul3A_0, %arg0 : i32
    %mul3A_1 = arith.constant 512 : i32
    %mul3A_2 = arith.muli %add3A, %mul3A_1 : i32
    %mul3A_3 = arith.constant 4 : i32
    %mul3A_4 = arith.muli %add3A, %mul3A_3 : i32
    %add3A_5 = arith.constant 128 : i32
    %add3A_6 = arith.addi %add3A_5, %mul3A_4 : i32
    %scan3A = arith.constant 0 : i32
    %scan3A_7 = arith.constant 0 : i32
    %mul3A_8 = arith.constant 2 : i32
    %mul3A_9 = arith.muli %scan3A_7, %mul3A_8 : i32
    %add3A_10 = arith.constant 0 : i32
    %add3A_11 = arith.addi %mul3A_9, %add3A_10 : i32
    %mul3A_12 = arith.constant 2 : i32
    %mul3A_13 = arith.muli %add3A_11, %mul3A_12 : i32
    %add3A_14 = arith.addi %add3A_6, %mul3A_13 : i32
    %mul3A_15 = arith.constant 256 : i32
    %mul3A_16 = arith.muli %add3A_11, %mul3A_15 : i32
    %add3A_17 = arith.addi %mul3A_2, %mul3A_16 : i32
    %ge3A = arith.constant 1 : i32
    %ge3A_18 = arith.cmpi sge, %scan3A_7, %ge3A : i32
    %convert_element_type3A = arith.extui %ge3A_18 : i1 to i32
    %cond3A = arith.constant 0 : i32
    %cond3A_19 = arith.cmpi ne, %convert_element_type3A, %cond3A : i32
    scf.if %cond3A_19 {
      %dma_wait3A_195 = arith.constant 0 : i32
      %dma_wait3A_196 = arith.constant 0 : i32
      %dma_wait3A_197 = arith.constant 0 : i32
      %dma_wait3A_198 = tpu.memref_slice %arg6[%dma_wait3A_195, %dma_wait3A_196, %dma_wait3A_197] : memref<2x256x128xf32, #tpu.memory_space<vmem>> -> memref<1x256x128xf32, #tpu.memory_space<vmem>>
      %dma_wait3A_199 = tpu.memref_squeeze %dma_wait3A_198 : memref<1x256x128xf32, #tpu.memory_space<vmem>> -> memref<256x128xf32, #tpu.memory_space<vmem>>
      %dma_wait3A_200 = arith.constant 0 : i32
      %dma_wait3A_201 = tpu.memref_slice %arg4[%add3A_17, %dma_wait3A_200] : memref<16384x128xf32, #tpu.memory_space<hbm>> -> memref<256x128xf32, #tpu.memory_space<hbm>>
      %dma_wait3A_202 = arith.constant 0 : i32
      %dma_wait3A_203 = tpu.memref_slice %arg4[%add3A_17, %dma_wait3A_202] : memref<16384x128xf32, #tpu.memory_space<hbm>> -> memref<256x128xf32, #tpu.memory_space<hbm>>
      %dma_wait3A_204 = arith.constant 0 : i32
      %dma_wait3A_205 = arith.constant 0 : i32
      %dma_wait3A_206 = tpu.memref_slice %arg6[%dma_wait3A_195, %dma_wait3A_204, %dma_wait3A_205] : memref<2x256x128xf32, #tpu.memory_space<vmem>> -> memref<1x256x128xf32, #tpu.memory_space<vmem>>
      %dma_wait3A_207 = tpu.memref_squeeze %dma_wait3A_206 : memref<1x256x128xf32, #tpu.memory_space<vmem>> -> memref<256x128xf32, #tpu.memory_space<vmem>>
      tpu.wait_dma2 semaphore(%arg9 : memref<!tpu.dma_semaphore, #tpu.memory_space<semaphore_mem>>) src(%dma_wait3A_207 : memref<256x128xf32, #tpu.memory_space<vmem>>) dst(%dma_wait3A_203 : memref<256x128xf32, #tpu.memory_space<hbm>>)
    } else {
    }
    %run_scoped3A = arith.constant 0 : i32
    "tpu.region"() ({
      %run_scoped3A_195 = tpu.sem_alloc : memref<!tpu.dma_semaphore, #tpu.memory_space<semaphore_mem>>
      %dma_start3A_196 = arith.constant 0 : i32
      %dma_start3A_197 = arith.constant 0 : i32
      %dma_start3A_198 = tpu.memref_slice %arg5[%run_scoped3A, %dma_start3A_196, %dma_start3A_197] : memref<2x2x128xi32, #tpu.memory_space<vmem>> -> memref<1x2x128xi32, #tpu.memory_space<vmem>>
      %dma_start3A_199 = tpu.memref_squeeze %dma_start3A_198 : memref<1x2x128xi32, #tpu.memory_space<vmem>> -> memref<2x128xi32, #tpu.memory_space<vmem>>
      %dma_start3A_200 = arith.constant 0 : i32
      %dma_start3A_201 = tpu.memref_slice %arg3[%add3A_14, %dma_start3A_200] : memref<512x128xi32, #tpu.memory_space<hbm>> -> memref<2x128xi32, #tpu.memory_space<hbm>>
      %dma_start3A_202 = arith.constant 0 : i32
      %dma_start3A_203 = arith.constant 0 : i32
      %dma_start3A_204 = tpu.memref_slice %arg5[%run_scoped3A, %dma_start3A_202, %dma_start3A_203] : memref<2x2x128xi32, #tpu.memory_space<vmem>> -> memref<1x2x128xi32, #tpu.memory_space<vmem>>
      %dma_start3A_205 = tpu.memref_squeeze %dma_start3A_204 : memref<1x2x128xi32, #tpu.memory_space<vmem>> -> memref<2x128xi32, #tpu.memory_space<vmem>>
      %dma_start3A_206 = arith.constant 0 : i32
      %dma_start3A_207 = tpu.memref_slice %arg3[%add3A_14, %dma_start3A_206] : memref<512x128xi32, #tpu.memory_space<hbm>> -> memref<2x128xi32, #tpu.memory_space<hbm>>
      tpu.enqueue_dma source(%dma_start3A_207 : memref<2x128xi32, #tpu.memory_space<hbm>>) target(%dma_start3A_205 : memref<2x128xi32, #tpu.memory_space<vmem>>) target_semaphore(%run_scoped3A_195 : memref<!tpu.dma_semaphore, #tpu.memory_space<semaphore_mem>>)
      %dma_wait3A_208 = arith.constant 0 : i32
      %dma_wait3A_209 = arith.constant 0 : i32
      %dma_wait3A_210 = tpu.memref_slice %arg5[%run_scoped3A, %dma_wait3A_208, %dma_wait3A_209] : memref<2x2x128xi32, #tpu.memory_space<vmem>> -> memref<1x2x128xi32, #tpu.memory_space<vmem>>
      %dma_wait3A_211 = tpu.memref_squeeze %dma_wait3A_210 : memref<1x2x128xi32, #tpu.memory_space<vmem>> -> memref<2x128xi32, #tpu.memory_space<vmem>>
      %dma_wait3A_212 = arith.constant 0 : i32
      %dma_wait3A_213 = tpu.memref_slice %arg3[%add3A_14, %dma_wait3A_212] : memref<512x128xi32, #tpu.memory_space<hbm>> -> memref<2x128xi32, #tpu.memory_space<hbm>>
      %dma_wait3A_214 = arith.constant 0 : i32
      %dma_wait3A_215 = arith.constant 0 : i32
      %dma_wait3A_216 = tpu.memref_slice %arg5[%run_scoped3A, %dma_wait3A_214, %dma_wait3A_215] : memref<2x2x128xi32, #tpu.memory_space<vmem>> -> memref<1x2x128xi32, #tpu.memory_space<vmem>>
      %dma_wait3A_217 = tpu.memref_squeeze %dma_wait3A_216 : memref<1x2x128xi32, #tpu.memory_space<vmem>> -> memref<2x128xi32, #tpu.memory_space<vmem>>
      %dma_wait3A_218 = arith.constant 0 : i32
      %dma_wait3A_219 = tpu.memref_slice %arg3[%add3A_14, %dma_wait3A_218] : memref<512x128xi32, #tpu.memory_space<hbm>> -> memref<2x128xi32, #tpu.memory_space<hbm>>
      tpu.wait_dma2 semaphore(%run_scoped3A_195 : memref<!tpu.dma_semaphore, #tpu.memory_space<semaphore_mem>>) src(%dma_wait3A_219 : memref<2x128xi32, #tpu.memory_space<hbm>>) dst(%dma_wait3A_217 : memref<2x128xi32, #tpu.memory_space<vmem>>)
      tpu.yield
    }) : () -> ()
    %dma_start3A = arith.constant 0 : i32
    %dma_start3A_20 = arith.constant 0 : i32
    %dma_start3A_21 = arith.constant 0 : i32
    %dma_start3A_22 = arith.constant 0 : i32
    %dma_start3A_23 = arith.constant 0 : i32
    %dma_start3A_24 = tpu.memref_slice %arg6[%dma_start3A_21, %dma_start3A_22, %dma_start3A_23] : memref<2x256x128xf32, #tpu.memory_space<vmem>> -> memref<1x128x128xf32, #tpu.memory_space<vmem>>
    %dma_start3A_25 = tpu.memref_squeeze %dma_start3A_24 : memref<1x128x128xf32, #tpu.memory_space<vmem>> -> memref<128x128xf32, #tpu.memory_space<vmem>>
    %dma_start3A_26 = arith.constant 0 : i32
    %dma_start3A_27 = tpu.memref_slice %arg5[%dma_start3A, %dma_start3A_20, %dma_start3A_26] : memref<2x2x128xi32, #tpu.memory_space<vmem>> -> memref<1x1x128xi32, #tpu.memory_space<vmem>>
    %dma_start3A_28 = tpu.memref_squeeze %dma_start3A_27 : memref<1x1x128xi32, #tpu.memory_space<vmem>> -> memref<128xi32, #tpu.memory_space<vmem>>
    %dma_start3A_29 = arith.constant 0 : i32
    %dma_start3A_30 = arith.constant 0 : i32
    %dma_start3A_31 = tpu.memref_slice %arg2[%dma_start3A_29, %dma_start3A_30] : memref<1024x128xf32, #tpu.memory_space<hbm>> -> memref<1024x128xf32, #tpu.memory_space<hbm>>
    tpu.enqueue_indirect_dma source(%dma_start3A_31 : memref<1024x128xf32, #tpu.memory_space<hbm>>) target(%dma_start3A_25 : memref<128x128xf32, #tpu.memory_space<vmem>>) offsets(%dma_start3A_28 : memref<128xi32, #tpu.memory_space<vmem>>) semaphore(%arg7 : memref<!tpu.dma_semaphore, #tpu.memory_space<semaphore_mem>>)
    %dma_start3A_32 = arith.constant 0 : i32
    %dma_start3A_33 = arith.constant 1 : i32
    %dma_start3A_34 = arith.constant 0 : i32
    %dma_start3A_35 = arith.constant 128 : i32
    %dma_start3A_36 = arith.constant 0 : i32
    %dma_start3A_37 = tpu.memref_slice %arg6[%dma_start3A_34, %dma_start3A_35, %dma_start3A_36] : memref<2x256x128xf32, #tpu.memory_space<vmem>> -> memref<1x128x128xf32, #tpu.memory_space<vmem>>
    %dma_start3A_38 = tpu.memref_squeeze %dma_start3A_37 : memref<1x128x128xf32, #tpu.memory_space<vmem>> -> memref<128x128xf32, #tpu.memory_space<vmem>>
    %dma_start3A_39 = arith.constant 0 : i32
    %dma_start3A_40 = tpu.memref_slice %arg5[%dma_start3A_32, %dma_start3A_33, %dma_start3A_39] : memref<2x2x128xi32, #tpu.memory_space<vmem>> -> memref<1x1x128xi32, #tpu.memory_space<vmem>>
    %dma_start3A_41 = tpu.memref_squeeze %dma_start3A_40 : memref<1x1x128xi32, #tpu.memory_space<vmem>> -> memref<128xi32, #tpu.memory_space<vmem>>
    %dma_start3A_42 = arith.constant 0 : i32
    %dma_start3A_43 = arith.constant 0 : i32
    %dma_start3A_44 = tpu.memref_slice %arg2[%dma_start3A_42, %dma_start3A_43] : memref<1024x128xf32, #tpu.memory_space<hbm>> -> memref<1024x128xf32, #tpu.memory_space<hbm>>
    tpu.enqueue_indirect_dma source(%dma_start3A_44 : memref<1024x128xf32, #tpu.memory_space<hbm>>) target(%dma_start3A_38 : memref<128x128xf32, #tpu.memory_space<vmem>>) offsets(%dma_start3A_41 : memref<128xi32, #tpu.memory_space<vmem>>) semaphore(%arg7 : memref<!tpu.dma_semaphore, #tpu.memory_space<semaphore_mem>>)
    %dma_wait3A = arith.constant 0 : i32
    %dma_wait3A_45 = arith.constant 0 : i32
    %dma_wait3A_46 = arith.constant 0 : i32
    %dma_wait3A_47 = arith.constant 0 : i32
    %dma_wait3A_48 = arith.constant 0 : i32
    %dma_wait3A_49 = tpu.memref_slice %arg6[%dma_wait3A_46, %dma_wait3A_47, %dma_wait3A_48] : memref<2x256x128xf32, #tpu.memory_space<vmem>> -> memref<1x128x128xf32, #tpu.memory_space<vmem>>
    %dma_wait3A_50 = tpu.memref_squeeze %dma_wait3A_49 : memref<1x128x128xf32, #tpu.memory_space<vmem>> -> memref<128x128xf32, #tpu.memory_space<vmem>>
    %dma_wait3A_51 = arith.constant 0 : i32
    %dma_wait3A_52 = tpu.memref_slice %arg5[%dma_wait3A, %dma_wait3A_45, %dma_wait3A_51] : memref<2x2x128xi32, #tpu.memory_space<vmem>> -> memref<1x1x128xi32, #tpu.memory_space<vmem>>
    %dma_wait3A_53 = tpu.memref_squeeze %dma_wait3A_52 : memref<1x1x128xi32, #tpu.memory_space<vmem>> -> memref<128xi32, #tpu.memory_space<vmem>>
    %dma_wait3A_54 = arith.constant 0 : i32
    %dma_wait3A_55 = arith.constant 0 : i32
    %dma_wait3A_56 = tpu.memref_slice %arg2[%dma_wait3A_54, %dma_wait3A_55] : memref<1024x128xf32, #tpu.memory_space<hbm>> -> memref<1024x128xf32, #tpu.memory_space<hbm>>
    tpu.wait_indirect_dma semaphore(%arg7 : memref<!tpu.dma_semaphore, #tpu.memory_space<semaphore_mem>>) src(%dma_wait3A_56 : memref<1024x128xf32, #tpu.memory_space<hbm>>) dst(%dma_wait3A_50 : memref<128x128xf32, #tpu.memory_space<vmem>>)
    %dma_wait3A_57 = arith.constant 0 : i32
    %dma_wait3A_58 = arith.constant 1 : i32
    %dma_wait3A_59 = arith.constant 0 : i32
    %dma_wait3A_60 = arith.constant 128 : i32
    %dma_wait3A_61 = arith.constant 0 : i32
    %dma_wait3A_62 = tpu.memref_slice %arg6[%dma_wait3A_59, %dma_wait3A_60, %dma_wait3A_61] : memref<2x256x128xf32, #tpu.memory_space<vmem>> -> memref<1x128x128xf32, #tpu.memory_space<vmem>>
    %dma_wait3A_63 = tpu.memref_squeeze %dma_wait3A_62 : memref<1x128x128xf32, #tpu.memory_space<vmem>> -> memref<128x128xf32, #tpu.memory_space<vmem>>
    %dma_wait3A_64 = arith.constant 0 : i32
    %dma_wait3A_65 = tpu.memref_slice %arg5[%dma_wait3A_57, %dma_wait3A_58, %dma_wait3A_64] : memref<2x2x128xi32, #tpu.memory_space<vmem>> -> memref<1x1x128xi32, #tpu.memory_space<vmem>>
    %dma_wait3A_66 = tpu.memref_squeeze %dma_wait3A_65 : memref<1x1x128xi32, #tpu.memory_space<vmem>> -> memref<128xi32, #tpu.memory_space<vmem>>
    %dma_wait3A_67 = arith.constant 0 : i32
    %dma_wait3A_68 = arith.constant 0 : i32
    %dma_wait3A_69 = tpu.memref_slice %arg2[%dma_wait3A_67, %dma_wait3A_68] : memref<1024x128xf32, #tpu.memory_space<hbm>> -> memref<1024x128xf32, #tpu.memory_space<hbm>>
    tpu.wait_indirect_dma semaphore(%arg7 : memref<!tpu.dma_semaphore, #tpu.memory_space<semaphore_mem>>) src(%dma_wait3A_69 : memref<1024x128xf32, #tpu.memory_space<hbm>>) dst(%dma_wait3A_63 : memref<128x128xf32, #tpu.memory_space<vmem>>)
    %dma_start3A_70 = arith.constant 0 : i32
    %dma_start3A_71 = arith.constant 0 : i32
    %dma_start3A_72 = arith.constant 0 : i32
    %dma_start3A_73 = tpu.memref_slice %arg6[%dma_start3A_70, %dma_start3A_71, %dma_start3A_72] : memref<2x256x128xf32, #tpu.memory_space<vmem>> -> memref<1x256x128xf32, #tpu.memory_space<vmem>>
    %dma_start3A_74 = tpu.memref_squeeze %dma_start3A_73 : memref<1x256x128xf32, #tpu.memory_space<vmem>> -> memref<256x128xf32, #tpu.memory_space<vmem>>
    %dma_start3A_75 = arith.constant 0 : i32
    %dma_start3A_76 = tpu.memref_slice %arg4[%add3A_17, %dma_start3A_75] : memref<16384x128xf32, #tpu.memory_space<hbm>> -> memref<256x128xf32, #tpu.memory_space<hbm>>
    %dma_start3A_77 = arith.constant 0 : i32
    %dma_start3A_78 = tpu.memref_slice %arg4[%add3A_17, %dma_start3A_77] : memref<16384x128xf32, #tpu.memory_space<hbm>> -> memref<256x128xf32, #tpu.memory_space<hbm>>
    %dma_start3A_79 = arith.constant 0 : i32
    %dma_start3A_80 = arith.constant 0 : i32
    %dma_start3A_81 = tpu.memref_slice %arg6[%dma_start3A_70, %dma_start3A_79, %dma_start3A_80] : memref<2x256x128xf32, #tpu.memory_space<vmem>> -> memref<1x256x128xf32, #tpu.memory_space<vmem>>
    %dma_start3A_82 = tpu.memref_squeeze %dma_start3A_81 : memref<1x256x128xf32, #tpu.memory_space<vmem>> -> memref<256x128xf32, #tpu.memory_space<vmem>>
    tpu.enqueue_dma source(%dma_start3A_82 : memref<256x128xf32, #tpu.memory_space<vmem>>) target(%dma_start3A_78 : memref<256x128xf32, #tpu.memory_space<hbm>>) target_semaphore(%arg9 : memref<!tpu.dma_semaphore, #tpu.memory_space<semaphore_mem>>)
    %mul3A_83 = arith.constant 2 : i32
    %mul3A_84 = arith.muli %scan3A_7, %mul3A_83 : i32
    %add3A_85 = arith.constant 1 : i32
    %add3A_86 = arith.addi %mul3A_84, %add3A_85 : i32
    %mul3A_87 = arith.constant 2 : i32
    %mul3A_88 = arith.muli %add3A_86, %mul3A_87 : i32
    %add3A_89 = arith.addi %add3A_6, %mul3A_88 : i32
    %mul3A_90 = arith.constant 256 : i32
    %mul3A_91 = arith.muli %add3A_86, %mul3A_90 : i32
    %add3A_92 = arith.addi %mul3A_2, %mul3A_91 : i32
    %ge3A_93 = arith.constant 1 : i32
    %ge3A_94 = arith.cmpi sge, %scan3A_7, %ge3A_93 : i32
    %convert_element_type3A_95 = arith.extui %ge3A_94 : i1 to i32
    %cond3A_96 = arith.constant 0 : i32
    %cond3A_97 = arith.cmpi ne, %convert_element_type3A_95, %cond3A_96 : i32
    scf.if %cond3A_97 {
      %dma_wait3A_195 = arith.constant 1 : i32
      %dma_wait3A_196 = arith.constant 0 : i32
      %dma_wait3A_197 = arith.constant 0 : i32
      %dma_wait3A_198 = tpu.memref_slice %arg6[%dma_wait3A_195, %dma_wait3A_196, %dma_wait3A_197] : memref<2x256x128xf32, #tpu.memory_space<vmem>> -> memref<1x256x128xf32, #tpu.memory_space<vmem>>
      %dma_wait3A_199 = tpu.memref_squeeze %dma_wait3A_198 : memref<1x256x128xf32, #tpu.memory_space<vmem>> -> memref<256x128xf32, #tpu.memory_space<vmem>>
      %dma_wait3A_200 = arith.constant 0 : i32
      %dma_wait3A_201 = tpu.memref_slice %arg4[%add3A_92, %dma_wait3A_200] : memref<16384x128xf32, #tpu.memory_space<hbm>> -> memref<256x128xf32, #tpu.memory_space<hbm>>
      %dma_wait3A_202 = arith.constant 0 : i32
      %dma_wait3A_203 = tpu.memref_slice %arg4[%add3A_92, %dma_wait3A_202] : memref<16384x128xf32, #tpu.memory_space<hbm>> -> memref<256x128xf32, #tpu.memory_space<hbm>>
      %dma_wait3A_204 = arith.constant 0 : i32
      %dma_wait3A_205 = arith.constant 0 : i32
      %dma_wait3A_206 = tpu.memref_slice %arg6[%dma_wait3A_195, %dma_wait3A_204, %dma_wait3A_205] : memref<2x256x128xf32, #tpu.memory_space<vmem>> -> memref<1x256x128xf32, #tpu.memory_space<vmem>>
      %dma_wait3A_207 = tpu.memref_squeeze %dma_wait3A_206 : memref<1x256x128xf32, #tpu.memory_space<vmem>> -> memref<256x128xf32, #tpu.memory_space<vmem>>
      tpu.wait_dma2 semaphore(%arg10 : memref<!tpu.dma_semaphore, #tpu.memory_space<semaphore_mem>>) src(%dma_wait3A_207 : memref<256x128xf32, #tpu.memory_space<vmem>>) dst(%dma_wait3A_203 : memref<256x128xf32, #tpu.memory_space<hbm>>)
    } else {
    }
    %run_scoped3A_98 = arith.constant 1 : i32
    "tpu.region"() ({
      %run_scoped3A_195 = tpu.sem_alloc : memref<!tpu.dma_semaphore, #tpu.memory_space<semaphore_mem>>
      %dma_start3A_196 = arith.constant 0 : i32
      %dma_start3A_197 = arith.constant 0 : i32
      %dma_start3A_198 = tpu.memref_slice %arg5[%run_scoped3A_98, %dma_start3A_196, %dma_start3A_197] : memref<2x2x128xi32, #tpu.memory_space<vmem>> -> memref<1x2x128xi32, #tpu.memory_space<vmem>>
      %dma_start3A_199 = tpu.memref_squeeze %dma_start3A_198 : memref<1x2x128xi32, #tpu.memory_space<vmem>> -> memref<2x128xi32, #tpu.memory_space<vmem>>
      %dma_start3A_200 = arith.constant 0 : i32
      %dma_start3A_201 = tpu.memref_slice %arg3[%add3A_89, %dma_start3A_200] : memref<512x128xi32, #tpu.memory_space<hbm>> -> memref<2x128xi32, #tpu.memory_space<hbm>>
      %dma_start3A_202 = arith.constant 0 : i32
      %dma_start3A_203 = arith.constant 0 : i32
      %dma_start3A_204 = tpu.memref_slice %arg5[%run_scoped3A_98, %dma_start3A_202, %dma_start3A_203] : memref<2x2x128xi32, #tpu.memory_space<vmem>> -> memref<1x2x128xi32, #tpu.memory_space<vmem>>
      %dma_start3A_205 = tpu.memref_squeeze %dma_start3A_204 : memref<1x2x128xi32, #tpu.memory_space<vmem>> -> memref<2x128xi32, #tpu.memory_space<vmem>>
      %dma_start3A_206 = arith.constant 0 : i32
      %dma_start3A_207 = tpu.memref_slice %arg3[%add3A_89, %dma_start3A_206] : memref<512x128xi32, #tpu.memory_space<hbm>> -> memref<2x128xi32, #tpu.memory_space<hbm>>
      tpu.enqueue_dma source(%dma_start3A_207 : memref<2x128xi32, #tpu.memory_space<hbm>>) target(%dma_start3A_205 : memref<2x128xi32, #tpu.memory_space<vmem>>) target_semaphore(%run_scoped3A_195 : memref<!tpu.dma_semaphore, #tpu.memory_space<semaphore_mem>>)
      %dma_wait3A_208 = arith.constant 0 : i32
      %dma_wait3A_209 = arith.constant 0 : i32
      %dma_wait3A_210 = tpu.memref_slice %arg5[%run_scoped3A_98, %dma_wait3A_208, %dma_wait3A_209] : memref<2x2x128xi32, #tpu.memory_space<vmem>> -> memref<1x2x128xi32, #tpu.memory_space<vmem>>
      %dma_wait3A_211 = tpu.memref_squeeze %dma_wait3A_210 : memref<1x2x128xi32, #tpu.memory_space<vmem>> -> memref<2x128xi32, #tpu.memory_space<vmem>>
      %dma_wait3A_212 = arith.constant 0 : i32
      %dma_wait3A_213 = tpu.memref_slice %arg3[%add3A_89, %dma_wait3A_212] : memref<512x128xi32, #tpu.memory_space<hbm>> -> memref<2x128xi32, #tpu.memory_space<hbm>>
      %dma_wait3A_214 = arith.constant 0 : i32
      %dma_wait3A_215 = arith.constant 0 : i32
      %dma_wait3A_216 = tpu.memref_slice %arg5[%run_scoped3A_98, %dma_wait3A_214, %dma_wait3A_215] : memref<2x2x128xi32, #tpu.memory_space<vmem>> -> memref<1x2x128xi32, #tpu.memory_space<vmem>>
      %dma_wait3A_217 = tpu.memref_squeeze %dma_wait3A_216 : memref<1x2x128xi32, #tpu.memory_space<vmem>> -> memref<2x128xi32, #tpu.memory_space<vmem>>
      %dma_wait3A_218 = arith.constant 0 : i32
      %dma_wait3A_219 = tpu.memref_slice %arg3[%add3A_89, %dma_wait3A_218] : memref<512x128xi32, #tpu.memory_space<hbm>> -> memref<2x128xi32, #tpu.memory_space<hbm>>
      tpu.wait_dma2 semaphore(%run_scoped3A_195 : memref<!tpu.dma_semaphore, #tpu.memory_space<semaphore_mem>>) src(%dma_wait3A_219 : memref<2x128xi32, #tpu.memory_space<hbm>>) dst(%dma_wait3A_217 : memref<2x128xi32, #tpu.memory_space<vmem>>)
      tpu.yield
    }) : () -> ()
    %dma_start3A_99 = arith.constant 1 : i32
    %dma_start3A_100 = arith.constant 0 : i32
    %dma_start3A_101 = arith.constant 1 : i32
    %dma_start3A_102 = arith.constant 0 : i32
    %dma_start3A_103 = arith.constant 0 : i32
    %dma_start3A_104 = tpu.memref_slice %arg6[%dma_start3A_101, %dma_start3A_102, %dma_start3A_103] : memref<2x256x128xf32, #tpu.memory_space<vmem>> -> memref<1x128x128xf32, #tpu.memory_space<vmem>>
    %dma_start3A_105 = tpu.memref_squeeze %dma_start3A_104 : memref<1x128x128xf32, #tpu.memory_space<vmem>> -> memref<128x128xf32, #tpu.memory_space<vmem>>
    %dma_start3A_106 = arith.constant 0 : i32
    %dma_start3A_107 = tpu.memref_slice %arg5[%dma_start3A_99, %dma_start3A_100, %dma_start3A_106] : memref<2x2x128xi32, #tpu.memory_space<vmem>> -> memref<1x1x128xi32, #tpu.memory_space<vmem>>
    %dma_start3A_108 = tpu.memref_squeeze %dma_start3A_107 : memref<1x1x128xi32, #tpu.memory_space<vmem>> -> memref<128xi32, #tpu.memory_space<vmem>>
    %dma_start3A_109 = arith.constant 0 : i32
    %dma_start3A_110 = arith.constant 0 : i32
    %dma_start3A_111 = tpu.memref_slice %arg2[%dma_start3A_109, %dma_start3A_110] : memref<1024x128xf32, #tpu.memory_space<hbm>> -> memref<1024x128xf32, #tpu.memory_space<hbm>>
    tpu.enqueue_indirect_dma source(%dma_start3A_111 : memref<1024x128xf32, #tpu.memory_space<hbm>>) target(%dma_start3A_105 : memref<128x128xf32, #tpu.memory_space<vmem>>) offsets(%dma_start3A_108 : memref<128xi32, #tpu.memory_space<vmem>>) semaphore(%arg8 : memref<!tpu.dma_semaphore, #tpu.memory_space<semaphore_mem>>)
    %dma_start3A_112 = arith.constant 1 : i32
    %dma_start3A_113 = arith.constant 1 : i32
    %dma_start3A_114 = arith.constant 1 : i32
    %dma_start3A_115 = arith.constant 128 : i32
    %dma_start3A_116 = arith.constant 0 : i32
    %dma_start3A_117 = tpu.memref_slice %arg6[%dma_start3A_114, %dma_start3A_115, %dma_start3A_116] : memref<2x256x128xf32, #tpu.memory_space<vmem>> -> memref<1x128x128xf32, #tpu.memory_space<vmem>>
    %dma_start3A_118 = tpu.memref_squeeze %dma_start3A_117 : memref<1x128x128xf32, #tpu.memory_space<vmem>> -> memref<128x128xf32, #tpu.memory_space<vmem>>
    %dma_start3A_119 = arith.constant 0 : i32
    %dma_start3A_120 = tpu.memref_slice %arg5[%dma_start3A_112, %dma_start3A_113, %dma_start3A_119] : memref<2x2x128xi32, #tpu.memory_space<vmem>> -> memref<1x1x128xi32, #tpu.memory_space<vmem>>
    %dma_start3A_121 = tpu.memref_squeeze %dma_start3A_120 : memref<1x1x128xi32, #tpu.memory_space<vmem>> -> memref<128xi32, #tpu.memory_space<vmem>>
    %dma_start3A_122 = arith.constant 0 : i32
    %dma_start3A_123 = arith.constant 0 : i32
    %dma_start3A_124 = tpu.memref_slice %arg2[%dma_start3A_122, %dma_start3A_123] : memref<1024x128xf32, #tpu.memory_space<hbm>> -> memref<1024x128xf32, #tpu.memory_space<hbm>>
    tpu.enqueue_indirect_dma source(%dma_start3A_124 : memref<1024x128xf32, #tpu.memory_space<hbm>>) target(%dma_start3A_118 : memref<128x128xf32, #tpu.memory_space<vmem>>) offsets(%dma_start3A_121 : memref<128xi32, #tpu.memory_space<vmem>>) semaphore(%arg8 : memref<!tpu.dma_semaphore, #tpu.memory_space<semaphore_mem>>)
    %dma_wait3A_125 = arith.constant 1 : i32
    %dma_wait3A_126 = arith.constant 0 : i32
    %dma_wait3A_127 = arith.constant 1 : i32
    %dma_wait3A_128 = arith.constant 0 : i32
    %dma_wait3A_129 = arith.constant 0 : i32
    %dma_wait3A_130 = tpu.memref_slice %arg6[%dma_wait3A_127, %dma_wait3A_128, %dma_wait3A_129] : memref<2x256x128xf32, #tpu.memory_space<vmem>> -> memref<1x128x128xf32, #tpu.memory_space<vmem>>
    %dma_wait3A_131 = tpu.memref_squeeze %dma_wait3A_130 : memref<1x128x128xf32, #tpu.memory_space<vmem>> -> memref<128x128xf32, #tpu.memory_space<vmem>>
    %dma_wait3A_132 = arith.constant 0 : i32
    %dma_wait3A_133 = tpu.memref_slice %arg5[%dma_wait3A_125, %dma_wait3A_126, %dma_wait3A_132] : memref<2x2x128xi32, #tpu.memory_space<vmem>> -> memref<1x1x128xi32, #tpu.memory_space<vmem>>
    %dma_wait3A_134 = tpu.memref_squeeze %dma_wait3A_133 : memref<1x1x128xi32, #tpu.memory_space<vmem>> -> memref<128xi32, #tpu.memory_space<vmem>>
    %dma_wait3A_135 = arith.constant 0 : i32
    %dma_wait3A_136 = arith.constant 0 : i32
    %dma_wait3A_137 = tpu.memref_slice %arg2[%dma_wait3A_135, %dma_wait3A_136] : memref<1024x128xf32, #tpu.memory_space<hbm>> -> memref<1024x128xf32, #tpu.memory_space<hbm>>
    tpu.wait_indirect_dma semaphore(%arg8 : memref<!tpu.dma_semaphore, #tpu.memory_space<semaphore_mem>>) src(%dma_wait3A_137 : memref<1024x128xf32, #tpu.memory_space<hbm>>) dst(%dma_wait3A_131 : memref<128x128xf32, #tpu.memory_space<vmem>>)
    %dma_wait3A_138 = arith.constant 1 : i32
    %dma_wait3A_139 = arith.constant 1 : i32
    %dma_wait3A_140 = arith.constant 1 : i32
    %dma_wait3A_141 = arith.constant 128 : i32
    %dma_wait3A_142 = arith.constant 0 : i32
    %dma_wait3A_143 = tpu.memref_slice %arg6[%dma_wait3A_140, %dma_wait3A_141, %dma_wait3A_142] : memref<2x256x128xf32, #tpu.memory_space<vmem>> -> memref<1x128x128xf32, #tpu.memory_space<vmem>>
    %dma_wait3A_144 = tpu.memref_squeeze %dma_wait3A_143 : memref<1x128x128xf32, #tpu.memory_space<vmem>> -> memref<128x128xf32, #tpu.memory_space<vmem>>
    %dma_wait3A_145 = arith.constant 0 : i32
    %dma_wait3A_146 = tpu.memref_slice %arg5[%dma_wait3A_138, %dma_wait3A_139, %dma_wait3A_145] : memref<2x2x128xi32, #tpu.memory_space<vmem>> -> memref<1x1x128xi32, #tpu.memory_space<vmem>>
    %dma_wait3A_147 = tpu.memref_squeeze %dma_wait3A_146 : memref<1x1x128xi32, #tpu.memory_space<vmem>> -> memref<128xi32, #tpu.memory_space<vmem>>
    %dma_wait3A_148 = arith.constant 0 : i32
    %dma_wait3A_149 = arith.constant 0 : i32
    %dma_wait3A_150 = tpu.memref_slice %arg2[%dma_wait3A_148, %dma_wait3A_149] : memref<1024x128xf32, #tpu.memory_space<hbm>> -> memref<1024x128xf32, #tpu.memory_space<hbm>>
    tpu.wait_indirect_dma semaphore(%arg8 : memref<!tpu.dma_semaphore, #tpu.memory_space<semaphore_mem>>) src(%dma_wait3A_150 : memref<1024x128xf32, #tpu.memory_space<hbm>>) dst(%dma_wait3A_144 : memref<128x128xf32, #tpu.memory_space<vmem>>)
    %dma_start3A_151 = arith.constant 1 : i32
    %dma_start3A_152 = arith.constant 0 : i32
    %dma_start3A_153 = arith.constant 0 : i32
    %dma_start3A_154 = tpu.memref_slice %arg6[%dma_start3A_151, %dma_start3A_152, %dma_start3A_153] : memref<2x256x128xf32, #tpu.memory_space<vmem>> -> memref<1x256x128xf32, #tpu.memory_space<vmem>>
    %dma_start3A_155 = tpu.memref_squeeze %dma_start3A_154 : memref<1x256x128xf32, #tpu.memory_space<vmem>> -> memref<256x128xf32, #tpu.memory_space<vmem>>
    %dma_start3A_156 = arith.constant 0 : i32
    %dma_start3A_157 = tpu.memref_slice %arg4[%add3A_92, %dma_start3A_156] : memref<16384x128xf32, #tpu.memory_space<hbm>> -> memref<256x128xf32, #tpu.memory_space<hbm>>
    %dma_start3A_158 = arith.constant 0 : i32
    %dma_start3A_159 = tpu.memref_slice %arg4[%add3A_92, %dma_start3A_158] : memref<16384x128xf32, #tpu.memory_space<hbm>> -> memref<256x128xf32, #tpu.memory_space<hbm>>
    %dma_start3A_160 = arith.constant 0 : i32
    %dma_start3A_161 = arith.constant 0 : i32
    %dma_start3A_162 = tpu.memref_slice %arg6[%dma_start3A_151, %dma_start3A_160, %dma_start3A_161] : memref<2x256x128xf32, #tpu.memory_space<vmem>> -> memref<1x256x128xf32, #tpu.memory_space<vmem>>
    %dma_start3A_163 = tpu.memref_squeeze %dma_start3A_162 : memref<1x256x128xf32, #tpu.memory_space<vmem>> -> memref<256x128xf32, #tpu.memory_space<vmem>>
    tpu.enqueue_dma source(%dma_start3A_163 : memref<256x128xf32, #tpu.memory_space<vmem>>) target(%dma_start3A_159 : memref<256x128xf32, #tpu.memory_space<hbm>>) target_semaphore(%arg10 : memref<!tpu.dma_semaphore, #tpu.memory_space<semaphore_mem>>)
    %scan3A_164 = arith.constant 1 : i32
    %add3A_165 = arith.constant 0 : i32
    %add3A_166 = arith.addi %mul3A_2, %add3A_165 : i32
    %dma_wait3A_167 = arith.constant 0 : i32
    %dma_wait3A_168 = arith.constant 0 : i32
    %dma_wait3A_169 = arith.constant 0 : i32
    %dma_wait3A_170 = tpu.memref_slice %arg6[%dma_wait3A_167, %dma_wait3A_168, %dma_wait3A_169] : memref<2x256x128xf32, #tpu.memory_space<vmem>> -> memref<1x256x128xf32, #tpu.memory_space<vmem>>
    %dma_wait3A_171 = tpu.memref_squeeze %dma_wait3A_170 : memref<1x256x128xf32, #tpu.memory_space<vmem>> -> memref<256x128xf32, #tpu.memory_space<vmem>>
    %dma_wait3A_172 = arith.constant 0 : i32
    %dma_wait3A_173 = tpu.memref_slice %arg4[%add3A_166, %dma_wait3A_172] : memref<16384x128xf32, #tpu.memory_space<hbm>> -> memref<256x128xf32, #tpu.memory_space<hbm>>
    %dma_wait3A_174 = arith.constant 0 : i32
    %dma_wait3A_175 = tpu.memref_slice %arg4[%add3A_166, %dma_wait3A_174] : memref<16384x128xf32, #tpu.memory_space<hbm>> -> memref<256x128xf32, #tpu.memory_space<hbm>>
    %dma_wait3A_176 = arith.constant 0 : i32
    %dma_wait3A_177 = arith.constant 0 : i32
    %dma_wait3A_178 = tpu.memref_slice %arg6[%dma_wait3A_167, %dma_wait3A_176, %dma_wait3A_177] : memref<2x256x128xf32, #tpu.memory_space<vmem>> -> memref<1x256x128xf32, #tpu.memory_space<vmem>>
    %dma_wait3A_179 = tpu.memref_squeeze %dma_wait3A_178 : memref<1x256x128xf32, #tpu.memory_space<vmem>> -> memref<256x128xf32, #tpu.memory_space<vmem>>
    tpu.wait_dma2 semaphore(%arg9 : memref<!tpu.dma_semaphore, #tpu.memory_space<semaphore_mem>>) src(%dma_wait3A_179 : memref<256x128xf32, #tpu.memory_space<vmem>>) dst(%dma_wait3A_175 : memref<256x128xf32, #tpu.memory_space<hbm>>)
    %add3A_180 = arith.constant 256 : i32
    %add3A_181 = arith.addi %mul3A_2, %add3A_180 : i32
    %dma_wait3A_182 = arith.constant 1 : i32
    %dma_wait3A_183 = arith.constant 0 : i32
    %dma_wait3A_184 = arith.constant 0 : i32
    %dma_wait3A_185 = tpu.memref_slice %arg6[%dma_wait3A_182, %dma_wait3A_183, %dma_wait3A_184] : memref<2x256x128xf32, #tpu.memory_space<vmem>> -> memref<1x256x128xf32, #tpu.memory_space<vmem>>
    %dma_wait3A_186 = tpu.memref_squeeze %dma_wait3A_185 : memref<1x256x128xf32, #tpu.memory_space<vmem>> -> memref<256x128xf32, #tpu.memory_space<vmem>>
    %dma_wait3A_187 = arith.constant 0 : i32
    %dma_wait3A_188 = tpu.memref_slice %arg4[%add3A_181, %dma_wait3A_187] : memref<16384x128xf32, #tpu.memory_space<hbm>> -> memref<256x128xf32, #tpu.memory_space<hbm>>
    %dma_wait3A_189 = arith.constant 0 : i32
    %dma_wait3A_190 = tpu.memref_slice %arg4[%add3A_181, %dma_wait3A_189] : memref<16384x128xf32, #tpu.memory_space<hbm>> -> memref<256x128xf32, #tpu.memory_space<hbm>>
    %dma_wait3A_191 = arith.constant 0 : i32
    %dma_wait3A_192 = arith.constant 0 : i32
    %dma_wait3A_193 = tpu.memref_slice %arg6[%dma_wait3A_182, %dma_wait3A_191, %dma_wait3A_192] : memref<2x256x128xf32, #tpu.memory_space<vmem>> -> memref<1x256x128xf32, #tpu.memory_space<vmem>>
    %dma_wait3A_194 = tpu.memref_squeeze %dma_wait3A_193 : memref<1x256x128xf32, #tpu.memory_space<vmem>> -> memref<256x128xf32, #tpu.memory_space<vmem>>
    tpu.wait_dma2 semaphore(%arg10 : memref<!tpu.dma_semaphore, #tpu.memory_space<semaphore_mem>>) src(%dma_wait3A_194 : memref<256x128xf32, #tpu.memory_space<vmem>>) dst(%dma_wait3A_190 : memref<256x128xf32, #tpu.memory_space<hbm>>)
    return
  }
}

#map = affine_map<(d0, d1) -> (0, 0)>
module attributes {stable_mosaic.version = 14 : i64} {
  func.func @_gather_body(%arg0: i32, %arg1: i32, %arg2: memref<1024x128xf32, #tpu.memory_space<hbm>>, %arg3: memref<512x128xi32, #tpu.memory_space<hbm>>, %arg4: memref<16384x128xf32, #tpu.memory_space<hbm>>, %arg5: memref<2x2x128xi32, #tpu.memory_space<vmem>>, %arg6: memref<2x256x128xf32, #tpu.memory_space<vmem>>, %arg7: memref<!tpu.dma_semaphore, #tpu.memory_space<semaphore_mem>>, %arg8: memref<!tpu.dma_semaphore, #tpu.memory_space<semaphore_mem>>, %arg9: memref<!tpu.dma_semaphore, #tpu.memory_space<semaphore_mem>>, %arg10: memref<!tpu.dma_semaphore, #tpu.memory_space<semaphore_mem>>) attributes {dimension_semantics = [#tpu.dimension_semantics<core_parallel>, #tpu.dimension_semantics<subcore_parallel>], iteration_bounds = array<i64: 2, 16>, scalar_prefetch = 0 : i64, scratch_operands = 6 : i64, tpu.core_type = #tpu.core_type<sc_vector_subcore>, window_params = [{transform_indices = #map}, {transform_indices = #map}, {transform_indices = #map}]} {
    %mul3A = arith.constant 2 : i32
    %mul3A_0 = arith.muli %arg1, %mul3A : i32
    %add3A = arith.addi %mul3A_0, %arg0 : i32
    %mul3A_1 = arith.constant 512 : i32
    %mul3A_2 = arith.muli %add3A, %mul3A_1 : i32
    %mul3A_3 = arith.constant 4 : i32
    %mul3A_4 = arith.muli %add3A, %mul3A_3 : i32
    %add3A_5 = arith.constant 0 : i32
    %add3A_6 = arith.addi %add3A_5, %mul3A_4 : i32
    %scan3A = arith.constant 0 : i32
    %scan3A_7 = arith.constant 0 : i32
    %mul3A_8 = arith.constant 2 : i32
    %mul3A_9 = arith.muli %scan3A_7, %mul3A_8 : i32
    %add3A_10 = arith.constant 0 : i32
    %add3A_11 = arith.addi %mul3A_9, %add3A_10 : i32
    %mul3A_12 = arith.constant 2 : i32
    %mul3A_13 = arith.muli %add3A_11, %mul3A_12 : i32
    %add3A_14 = arith.addi %add3A_6, %mul3A_13 : i32
    %mul3A_15 = arith.constant 256 : i32
    %mul3A_16 = arith.muli %add3A_11, %mul3A_15 : i32
    %add3A_17 = arith.addi %mul3A_2, %mul3A_16 : i32
    %ge3A = arith.constant 1 : i32
    %ge3A_18 = arith.cmpi sge, %scan3A_7, %ge3A : i32
    %convert_element_type3A = arith.extui %ge3A_18 : i1 to i32
    %cond3A = arith.constant 0 : i32
    %cond3A_19 = arith.cmpi ne, %convert_element_type3A, %cond3A : i32
    scf.if %cond3A_19 {
      %dma_wait3A_195 = arith.constant 0 : i32
      %dma_wait3A_196 = arith.constant 0 : i32
      %dma_wait3A_197 = arith.constant 0 : i32
      %dma_wait3A_198 = tpu.memref_slice %arg6[%dma_wait3A_195, %dma_wait3A_196, %dma_wait3A_197] : memref<2x256x128xf32, #tpu.memory_space<vmem>> -> memref<1x256x128xf32, #tpu.memory_space<vmem>>
      %dma_wait3A_199 = tpu.memref_squeeze %dma_wait3A_198 : memref<1x256x128xf32, #tpu.memory_space<vmem>> -> memref<256x128xf32, #tpu.memory_space<vmem>>
      %dma_wait3A_200 = arith.constant 0 : i32
      %dma_wait3A_201 = tpu.memref_slice %arg4[%add3A_17, %dma_wait3A_200] : memref<16384x128xf32, #tpu.memory_space<hbm>> -> memref<256x128xf32, #tpu.memory_space<hbm>>
      %dma_wait3A_202 = arith.constant 0 : i32
      %dma_wait3A_203 = tpu.memref_slice %arg4[%add3A_17, %dma_wait3A_202] : memref<16384x128xf32, #tpu.memory_space<hbm>> -> memref<256x128xf32, #tpu.memory_space<hbm>>
      %dma_wait3A_204 = arith.constant 0 : i32
      %dma_wait3A_205 = arith.constant 0 : i32
      %dma_wait3A_206 = tpu.memref_slice %arg6[%dma_wait3A_195, %dma_wait3A_204, %dma_wait3A_205] : memref<2x256x128xf32, #tpu.memory_space<vmem>> -> memref<1x256x128xf32, #tpu.memory_space<vmem>>
      %dma_wait3A_207 = tpu.memref_squeeze %dma_wait3A_206 : memref<1x256x128xf32, #tpu.memory_space<vmem>> -> memref<256x128xf32, #tpu.memory_space<vmem>>
      tpu.wait_dma2 semaphore(%arg9 : memref<!tpu.dma_semaphore, #tpu.memory_space<semaphore_mem>>) src(%dma_wait3A_207 : memref<256x128xf32, #tpu.memory_space<vmem>>) dst(%dma_wait3A_203 : memref<256x128xf32, #tpu.memory_space<hbm>>)
    } else {
    }
    %run_scoped3A = arith.constant 0 : i32
    "tpu.region"() ({
      %run_scoped3A_195 = tpu.sem_alloc : memref<!tpu.dma_semaphore, #tpu.memory_space<semaphore_mem>>
      %dma_start3A_196 = arith.constant 0 : i32
      %dma_start3A_197 = arith.constant 0 : i32
      %dma_start3A_198 = tpu.memref_slice %arg5[%run_scoped3A, %dma_start3A_196, %dma_start3A_197] : memref<2x2x128xi32, #tpu.memory_space<vmem>> -> memref<1x2x128xi32, #tpu.memory_space<vmem>>
      %dma_start3A_199 = tpu.memref_squeeze %dma_start3A_198 : memref<1x2x128xi32, #tpu.memory_space<vmem>> -> memref<2x128xi32, #tpu.memory_space<vmem>>
      %dma_start3A_200 = arith.constant 0 : i32
      %dma_start3A_201 = tpu.memref_slice %arg3[%add3A_14, %dma_start3A_200] : memref<512x128xi32, #tpu.memory_space<hbm>> -> memref<2x128xi32, #tpu.memory_space<hbm>>
      %dma_start3A_202 = arith.constant 0 : i32
      %dma_start3A_203 = arith.constant 0 : i32
      %dma_start3A_204 = tpu.memref_slice %arg5[%run_scoped3A, %dma_start3A_202, %dma_start3A_203] : memref<2x2x128xi32, #tpu.memory_space<vmem>> -> memref<1x2x128xi32, #tpu.memory_space<vmem>>
      %dma_start3A_205 = tpu.memref_squeeze %dma_start3A_204 : memref<1x2x128xi32, #tpu.memory_space<vmem>> -> memref<2x128xi32, #tpu.memory_space<vmem>>
      %dma_start3A_206 = arith.constant 0 : i32
      %dma_start3A_207 = tpu.memref_slice %arg3[%add3A_14, %dma_start3A_206] : memref<512x128xi32, #tpu.memory_space<hbm>> -> memref<2x128xi32, #tpu.memory_space<hbm>>
      tpu.enqueue_dma source(%dma_start3A_207 : memref<2x128xi32, #tpu.memory_space<hbm>>) target(%dma_start3A_205 : memref<2x128xi32, #tpu.memory_space<vmem>>) target_semaphore(%run_scoped3A_195 : memref<!tpu.dma_semaphore, #tpu.memory_space<semaphore_mem>>)
      %dma_wait3A_208 = arith.constant 0 : i32
      %dma_wait3A_209 = arith.constant 0 : i32
      %dma_wait3A_210 = tpu.memref_slice %arg5[%run_scoped3A, %dma_wait3A_208, %dma_wait3A_209] : memref<2x2x128xi32, #tpu.memory_space<vmem>> -> memref<1x2x128xi32, #tpu.memory_space<vmem>>
      %dma_wait3A_211 = tpu.memref_squeeze %dma_wait3A_210 : memref<1x2x128xi32, #tpu.memory_space<vmem>> -> memref<2x128xi32, #tpu.memory_space<vmem>>
      %dma_wait3A_212 = arith.constant 0 : i32
      %dma_wait3A_213 = tpu.memref_slice %arg3[%add3A_14, %dma_wait3A_212] : memref<512x128xi32, #tpu.memory_space<hbm>> -> memref<2x128xi32, #tpu.memory_space<hbm>>
      %dma_wait3A_214 = arith.constant 0 : i32
      %dma_wait3A_215 = arith.constant 0 : i32
      %dma_wait3A_216 = tpu.memref_slice %arg5[%run_scoped3A, %dma_wait3A_214, %dma_wait3A_215] : memref<2x2x128xi32, #tpu.memory_space<vmem>> -> memref<1x2x128xi32, #tpu.memory_space<vmem>>
      %dma_wait3A_217 = tpu.memref_squeeze %dma_wait3A_216 : memref<1x2x128xi32, #tpu.memory_space<vmem>> -> memref<2x128xi32, #tpu.memory_space<vmem>>
      %dma_wait3A_218 = arith.constant 0 : i32
      %dma_wait3A_219 = tpu.memref_slice %arg3[%add3A_14, %dma_wait3A_218] : memref<512x128xi32, #tpu.memory_space<hbm>> -> memref<2x128xi32, #tpu.memory_space<hbm>>
      tpu.wait_dma2 semaphore(%run_scoped3A_195 : memref<!tpu.dma_semaphore, #tpu.memory_space<semaphore_mem>>) src(%dma_wait3A_219 : memref<2x128xi32, #tpu.memory_space<hbm>>) dst(%dma_wait3A_217 : memref<2x128xi32, #tpu.memory_space<vmem>>)
      tpu.yield
    }) : () -> ()
    %dma_start3A = arith.constant 0 : i32
    %dma_start3A_20 = arith.constant 0 : i32
    %dma_start3A_21 = arith.constant 0 : i32
    %dma_start3A_22 = arith.constant 0 : i32
    %dma_start3A_23 = arith.constant 0 : i32
    %dma_start3A_24 = tpu.memref_slice %arg6[%dma_start3A_21, %dma_start3A_22, %dma_start3A_23] : memref<2x256x128xf32, #tpu.memory_space<vmem>> -> memref<1x128x128xf32, #tpu.memory_space<vmem>>
    %dma_start3A_25 = tpu.memref_squeeze %dma_start3A_24 : memref<1x128x128xf32, #tpu.memory_space<vmem>> -> memref<128x128xf32, #tpu.memory_space<vmem>>
    %dma_start3A_26 = arith.constant 0 : i32
    %dma_start3A_27 = tpu.memref_slice %arg5[%dma_start3A, %dma_start3A_20, %dma_start3A_26] : memref<2x2x128xi32, #tpu.memory_space<vmem>> -> memref<1x1x128xi32, #tpu.memory_space<vmem>>
    %dma_start3A_28 = tpu.memref_squeeze %dma_start3A_27 : memref<1x1x128xi32, #tpu.memory_space<vmem>> -> memref<128xi32, #tpu.memory_space<vmem>>
    %dma_start3A_29 = arith.constant 0 : i32
    %dma_start3A_30 = arith.constant 0 : i32
    %dma_start3A_31 = tpu.memref_slice %arg2[%dma_start3A_29, %dma_start3A_30] : memref<1024x128xf32, #tpu.memory_space<hbm>> -> memref<1024x128xf32, #tpu.memory_space<hbm>>
    tpu.enqueue_indirect_dma source(%dma_start3A_31 : memref<1024x128xf32, #tpu.memory_space<hbm>>) target(%dma_start3A_25 : memref<128x128xf32, #tpu.memory_space<vmem>>) offsets(%dma_start3A_28 : memref<128xi32, #tpu.memory_space<vmem>>) semaphore(%arg7 : memref<!tpu.dma_semaphore, #tpu.memory_space<semaphore_mem>>)
    %dma_start3A_32 = arith.constant 0 : i32
    %dma_start3A_33 = arith.constant 1 : i32
    %dma_start3A_34 = arith.constant 0 : i32
    %dma_start3A_35 = arith.constant 128 : i32
    %dma_start3A_36 = arith.constant 0 : i32
    %dma_start3A_37 = tpu.memref_slice %arg6[%dma_start3A_34, %dma_start3A_35, %dma_start3A_36] : memref<2x256x128xf32, #tpu.memory_space<vmem>> -> memref<1x128x128xf32, #tpu.memory_space<vmem>>
    %dma_start3A_38 = tpu.memref_squeeze %dma_start3A_37 : memref<1x128x128xf32, #tpu.memory_space<vmem>> -> memref<128x128xf32, #tpu.memory_space<vmem>>
    %dma_start3A_39 = arith.constant 0 : i32
    %dma_start3A_40 = tpu.memref_slice %arg5[%dma_start3A_32, %dma_start3A_33, %dma_start3A_39] : memref<2x2x128xi32, #tpu.memory_space<vmem>> -> memref<1x1x128xi32, #tpu.memory_space<vmem>>
    %dma_start3A_41 = tpu.memref_squeeze %dma_start3A_40 : memref<1x1x128xi32, #tpu.memory_space<vmem>> -> memref<128xi32, #tpu.memory_space<vmem>>
    %dma_start3A_42 = arith.constant 0 : i32
    %dma_start3A_43 = arith.constant 0 : i32
    %dma_start3A_44 = tpu.memref_slice %arg2[%dma_start3A_42, %dma_start3A_43] : memref<1024x128xf32, #tpu.memory_space<hbm>> -> memref<1024x128xf32, #tpu.memory_space<hbm>>
    tpu.enqueue_indirect_dma source(%dma_start3A_44 : memref<1024x128xf32, #tpu.memory_space<hbm>>) target(%dma_start3A_38 : memref<128x128xf32, #tpu.memory_space<vmem>>) offsets(%dma_start3A_41 : memref<128xi32, #tpu.memory_space<vmem>>) semaphore(%arg7 : memref<!tpu.dma_semaphore, #tpu.memory_space<semaphore_mem>>)
    %dma_wait3A = arith.constant 0 : i32
    %dma_wait3A_45 = arith.constant 0 : i32
    %dma_wait3A_46 = arith.constant 0 : i32
    %dma_wait3A_47 = arith.constant 0 : i32
    %dma_wait3A_48 = arith.constant 0 : i32
    %dma_wait3A_49 = tpu.memref_slice %arg6[%dma_wait3A_46, %dma_wait3A_47, %dma_wait3A_48] : memref<2x256x128xf32, #tpu.memory_space<vmem>> -> memref<1x128x128xf32, #tpu.memory_space<vmem>>
    %dma_wait3A_50 = tpu.memref_squeeze %dma_wait3A_49 : memref<1x128x128xf32, #tpu.memory_space<vmem>> -> memref<128x128xf32, #tpu.memory_space<vmem>>
    %dma_wait3A_51 = arith.constant 0 : i32
    %dma_wait3A_52 = tpu.memref_slice %arg5[%dma_wait3A, %dma_wait3A_45, %dma_wait3A_51] : memref<2x2x128xi32, #tpu.memory_space<vmem>> -> memref<1x1x128xi32, #tpu.memory_space<vmem>>
    %dma_wait3A_53 = tpu.memref_squeeze %dma_wait3A_52 : memref<1x1x128xi32, #tpu.memory_space<vmem>> -> memref<128xi32, #tpu.memory_space<vmem>>
    %dma_wait3A_54 = arith.constant 0 : i32
    %dma_wait3A_55 = arith.constant 0 : i32
    %dma_wait3A_56 = tpu.memref_slice %arg2[%dma_wait3A_54, %dma_wait3A_55] : memref<1024x128xf32, #tpu.memory_space<hbm>> -> memref<1024x128xf32, #tpu.memory_space<hbm>>
    tpu.wait_indirect_dma semaphore(%arg7 : memref<!tpu.dma_semaphore, #tpu.memory_space<semaphore_mem>>) src(%dma_wait3A_56 : memref<1024x128xf32, #tpu.memory_space<hbm>>) dst(%dma_wait3A_50 : memref<128x128xf32, #tpu.memory_space<vmem>>)
    %dma_wait3A_57 = arith.constant 0 : i32
    %dma_wait3A_58 = arith.constant 1 : i32
    %dma_wait3A_59 = arith.constant 0 : i32
    %dma_wait3A_60 = arith.constant 128 : i32
    %dma_wait3A_61 = arith.constant 0 : i32
    %dma_wait3A_62 = tpu.memref_slice %arg6[%dma_wait3A_59, %dma_wait3A_60, %dma_wait3A_61] : memref<2x256x128xf32, #tpu.memory_space<vmem>> -> memref<1x128x128xf32, #tpu.memory_space<vmem>>
    %dma_wait3A_63 = tpu.memref_squeeze %dma_wait3A_62 : memref<1x128x128xf32, #tpu.memory_space<vmem>> -> memref<128x128xf32, #tpu.memory_space<vmem>>
    %dma_wait3A_64 = arith.constant 0 : i32
    %dma_wait3A_65 = tpu.memref_slice %arg5[%dma_wait3A_57, %dma_wait3A_58, %dma_wait3A_64] : memref<2x2x128xi32, #tpu.memory_space<vmem>> -> memref<1x1x128xi32, #tpu.memory_space<vmem>>
    %dma_wait3A_66 = tpu.memref_squeeze %dma_wait3A_65 : memref<1x1x128xi32, #tpu.memory_space<vmem>> -> memref<128xi32, #tpu.memory_space<vmem>>
    %dma_wait3A_67 = arith.constant 0 : i32
    %dma_wait3A_68 = arith.constant 0 : i32
    %dma_wait3A_69 = tpu.memref_slice %arg2[%dma_wait3A_67, %dma_wait3A_68] : memref<1024x128xf32, #tpu.memory_space<hbm>> -> memref<1024x128xf32, #tpu.memory_space<hbm>>
    tpu.wait_indirect_dma semaphore(%arg7 : memref<!tpu.dma_semaphore, #tpu.memory_space<semaphore_mem>>) src(%dma_wait3A_69 : memref<1024x128xf32, #tpu.memory_space<hbm>>) dst(%dma_wait3A_63 : memref<128x128xf32, #tpu.memory_space<vmem>>)
    %dma_start3A_70 = arith.constant 0 : i32
    %dma_start3A_71 = arith.constant 0 : i32
    %dma_start3A_72 = arith.constant 0 : i32
    %dma_start3A_73 = tpu.memref_slice %arg6[%dma_start3A_70, %dma_start3A_71, %dma_start3A_72] : memref<2x256x128xf32, #tpu.memory_space<vmem>> -> memref<1x256x128xf32, #tpu.memory_space<vmem>>
    %dma_start3A_74 = tpu.memref_squeeze %dma_start3A_73 : memref<1x256x128xf32, #tpu.memory_space<vmem>> -> memref<256x128xf32, #tpu.memory_space<vmem>>
    %dma_start3A_75 = arith.constant 0 : i32
    %dma_start3A_76 = tpu.memref_slice %arg4[%add3A_17, %dma_start3A_75] : memref<16384x128xf32, #tpu.memory_space<hbm>> -> memref<256x128xf32, #tpu.memory_space<hbm>>
    %dma_start3A_77 = arith.constant 0 : i32
    %dma_start3A_78 = tpu.memref_slice %arg4[%add3A_17, %dma_start3A_77] : memref<16384x128xf32, #tpu.memory_space<hbm>> -> memref<256x128xf32, #tpu.memory_space<hbm>>
    %dma_start3A_79 = arith.constant 0 : i32
    %dma_start3A_80 = arith.constant 0 : i32
    %dma_start3A_81 = tpu.memref_slice %arg6[%dma_start3A_70, %dma_start3A_79, %dma_start3A_80] : memref<2x256x128xf32, #tpu.memory_space<vmem>> -> memref<1x256x128xf32, #tpu.memory_space<vmem>>
    %dma_start3A_82 = tpu.memref_squeeze %dma_start3A_81 : memref<1x256x128xf32, #tpu.memory_space<vmem>> -> memref<256x128xf32, #tpu.memory_space<vmem>>
    tpu.enqueue_dma source(%dma_start3A_82 : memref<256x128xf32, #tpu.memory_space<vmem>>) target(%dma_start3A_78 : memref<256x128xf32, #tpu.memory_space<hbm>>) target_semaphore(%arg9 : memref<!tpu.dma_semaphore, #tpu.memory_space<semaphore_mem>>)
    %mul3A_83 = arith.constant 2 : i32
    %mul3A_84 = arith.muli %scan3A_7, %mul3A_83 : i32
    %add3A_85 = arith.constant 1 : i32
    %add3A_86 = arith.addi %mul3A_84, %add3A_85 : i32
    %mul3A_87 = arith.constant 2 : i32
    %mul3A_88 = arith.muli %add3A_86, %mul3A_87 : i32
    %add3A_89 = arith.addi %add3A_6, %mul3A_88 : i32
    %mul3A_90 = arith.constant 256 : i32
    %mul3A_91 = arith.muli %add3A_86, %mul3A_90 : i32
    %add3A_92 = arith.addi %mul3A_2, %mul3A_91 : i32
    %ge3A_93 = arith.constant 1 : i32
    %ge3A_94 = arith.cmpi sge, %scan3A_7, %ge3A_93 : i32
    %convert_element_type3A_95 = arith.extui %ge3A_94 : i1 to i32
    %cond3A_96 = arith.constant 0 : i32
    %cond3A_97 = arith.cmpi ne, %convert_element_type3A_95, %cond3A_96 : i32
    scf.if %cond3A_97 {
      %dma_wait3A_195 = arith.constant 1 : i32
      %dma_wait3A_196 = arith.constant 0 : i32
      %dma_wait3A_197 = arith.constant 0 : i32
      %dma_wait3A_198 = tpu.memref_slice %arg6[%dma_wait3A_195, %dma_wait3A_196, %dma_wait3A_197] : memref<2x256x128xf32, #tpu.memory_space<vmem>> -> memref<1x256x128xf32, #tpu.memory_space<vmem>>
      %dma_wait3A_199 = tpu.memref_squeeze %dma_wait3A_198 : memref<1x256x128xf32, #tpu.memory_space<vmem>> -> memref<256x128xf32, #tpu.memory_space<vmem>>
      %dma_wait3A_200 = arith.constant 0 : i32
      %dma_wait3A_201 = tpu.memref_slice %arg4[%add3A_92, %dma_wait3A_200] : memref<16384x128xf32, #tpu.memory_space<hbm>> -> memref<256x128xf32, #tpu.memory_space<hbm>>
      %dma_wait3A_202 = arith.constant 0 : i32
      %dma_wait3A_203 = tpu.memref_slice %arg4[%add3A_92, %dma_wait3A_202] : memref<16384x128xf32, #tpu.memory_space<hbm>> -> memref<256x128xf32, #tpu.memory_space<hbm>>
      %dma_wait3A_204 = arith.constant 0 : i32
      %dma_wait3A_205 = arith.constant 0 : i32
      %dma_wait3A_206 = tpu.memref_slice %arg6[%dma_wait3A_195, %dma_wait3A_204, %dma_wait3A_205] : memref<2x256x128xf32, #tpu.memory_space<vmem>> -> memref<1x256x128xf32, #tpu.memory_space<vmem>>
      %dma_wait3A_207 = tpu.memref_squeeze %dma_wait3A_206 : memref<1x256x128xf32, #tpu.memory_space<vmem>> -> memref<256x128xf32, #tpu.memory_space<vmem>>
      tpu.wait_dma2 semaphore(%arg10 : memref<!tpu.dma_semaphore, #tpu.memory_space<semaphore_mem>>) src(%dma_wait3A_207 : memref<256x128xf32, #tpu.memory_space<vmem>>) dst(%dma_wait3A_203 : memref<256x128xf32, #tpu.memory_space<hbm>>)
    } else {
    }
    %run_scoped3A_98 = arith.constant 1 : i32
    "tpu.region"() ({
      %run_scoped3A_195 = tpu.sem_alloc : memref<!tpu.dma_semaphore, #tpu.memory_space<semaphore_mem>>
      %dma_start3A_196 = arith.constant 0 : i32
      %dma_start3A_197 = arith.constant 0 : i32
      %dma_start3A_198 = tpu.memref_slice %arg5[%run_scoped3A_98, %dma_start3A_196, %dma_start3A_197] : memref<2x2x128xi32, #tpu.memory_space<vmem>> -> memref<1x2x128xi32, #tpu.memory_space<vmem>>
      %dma_start3A_199 = tpu.memref_squeeze %dma_start3A_198 : memref<1x2x128xi32, #tpu.memory_space<vmem>> -> memref<2x128xi32, #tpu.memory_space<vmem>>
      %dma_start3A_200 = arith.constant 0 : i32
      %dma_start3A_201 = tpu.memref_slice %arg3[%add3A_89, %dma_start3A_200] : memref<512x128xi32, #tpu.memory_space<hbm>> -> memref<2x128xi32, #tpu.memory_space<hbm>>
      %dma_start3A_202 = arith.constant 0 : i32
      %dma_start3A_203 = arith.constant 0 : i32
      %dma_start3A_204 = tpu.memref_slice %arg5[%run_scoped3A_98, %dma_start3A_202, %dma_start3A_203] : memref<2x2x128xi32, #tpu.memory_space<vmem>> -> memref<1x2x128xi32, #tpu.memory_space<vmem>>
      %dma_start3A_205 = tpu.memref_squeeze %dma_start3A_204 : memref<1x2x128xi32, #tpu.memory_space<vmem>> -> memref<2x128xi32, #tpu.memory_space<vmem>>
      %dma_start3A_206 = arith.constant 0 : i32
      %dma_start3A_207 = tpu.memref_slice %arg3[%add3A_89, %dma_start3A_206] : memref<512x128xi32, #tpu.memory_space<hbm>> -> memref<2x128xi32, #tpu.memory_space<hbm>>
      tpu.enqueue_dma source(%dma_start3A_207 : memref<2x128xi32, #tpu.memory_space<hbm>>) target(%dma_start3A_205 : memref<2x128xi32, #tpu.memory_space<vmem>>) target_semaphore(%run_scoped3A_195 : memref<!tpu.dma_semaphore, #tpu.memory_space<semaphore_mem>>)
      %dma_wait3A_208 = arith.constant 0 : i32
      %dma_wait3A_209 = arith.constant 0 : i32
      %dma_wait3A_210 = tpu.memref_slice %arg5[%run_scoped3A_98, %dma_wait3A_208, %dma_wait3A_209] : memref<2x2x128xi32, #tpu.memory_space<vmem>> -> memref<1x2x128xi32, #tpu.memory_space<vmem>>
      %dma_wait3A_211 = tpu.memref_squeeze %dma_wait3A_210 : memref<1x2x128xi32, #tpu.memory_space<vmem>> -> memref<2x128xi32, #tpu.memory_space<vmem>>
      %dma_wait3A_212 = arith.constant 0 : i32
      %dma_wait3A_213 = tpu.memref_slice %arg3[%add3A_89, %dma_wait3A_212] : memref<512x128xi32, #tpu.memory_space<hbm>> -> memref<2x128xi32, #tpu.memory_space<hbm>>
      %dma_wait3A_214 = arith.constant 0 : i32
      %dma_wait3A_215 = arith.constant 0 : i32
      %dma_wait3A_216 = tpu.memref_slice %arg5[%run_scoped3A_98, %dma_wait3A_214, %dma_wait3A_215] : memref<2x2x128xi32, #tpu.memory_space<vmem>> -> memref<1x2x128xi32, #tpu.memory_space<vmem>>
      %dma_wait3A_217 = tpu.memref_squeeze %dma_wait3A_216 : memref<1x2x128xi32, #tpu.memory_space<vmem>> -> memref<2x128xi32, #tpu.memory_space<vmem>>
      %dma_wait3A_218 = arith.constant 0 : i32
      %dma_wait3A_219 = tpu.memref_slice %arg3[%add3A_89, %dma_wait3A_218] : memref<512x128xi32, #tpu.memory_space<hbm>> -> memref<2x128xi32, #tpu.memory_space<hbm>>
      tpu.wait_dma2 semaphore(%run_scoped3A_195 : memref<!tpu.dma_semaphore, #tpu.memory_space<semaphore_mem>>) src(%dma_wait3A_219 : memref<2x128xi32, #tpu.memory_space<hbm>>) dst(%dma_wait3A_217 : memref<2x128xi32, #tpu.memory_space<vmem>>)
      tpu.yield
    }) : () -> ()
    %dma_start3A_99 = arith.constant 1 : i32
    %dma_start3A_100 = arith.constant 0 : i32
    %dma_start3A_101 = arith.constant 1 : i32
    %dma_start3A_102 = arith.constant 0 : i32
    %dma_start3A_103 = arith.constant 0 : i32
    %dma_start3A_104 = tpu.memref_slice %arg6[%dma_start3A_101, %dma_start3A_102, %dma_start3A_103] : memref<2x256x128xf32, #tpu.memory_space<vmem>> -> memref<1x128x128xf32, #tpu.memory_space<vmem>>
    %dma_start3A_105 = tpu.memref_squeeze %dma_start3A_104 : memref<1x128x128xf32, #tpu.memory_space<vmem>> -> memref<128x128xf32, #tpu.memory_space<vmem>>
    %dma_start3A_106 = arith.constant 0 : i32
    %dma_start3A_107 = tpu.memref_slice %arg5[%dma_start3A_99, %dma_start3A_100, %dma_start3A_106] : memref<2x2x128xi32, #tpu.memory_space<vmem>> -> memref<1x1x128xi32, #tpu.memory_space<vmem>>
    %dma_start3A_108 = tpu.memref_squeeze %dma_start3A_107 : memref<1x1x128xi32, #tpu.memory_space<vmem>> -> memref<128xi32, #tpu.memory_space<vmem>>
    %dma_start3A_109 = arith.constant 0 : i32
    %dma_start3A_110 = arith.constant 0 : i32
    %dma_start3A_111 = tpu.memref_slice %arg2[%dma_start3A_109, %dma_start3A_110] : memref<1024x128xf32, #tpu.memory_space<hbm>> -> memref<1024x128xf32, #tpu.memory_space<hbm>>
    tpu.enqueue_indirect_dma source(%dma_start3A_111 : memref<1024x128xf32, #tpu.memory_space<hbm>>) target(%dma_start3A_105 : memref<128x128xf32, #tpu.memory_space<vmem>>) offsets(%dma_start3A_108 : memref<128xi32, #tpu.memory_space<vmem>>) semaphore(%arg8 : memref<!tpu.dma_semaphore, #tpu.memory_space<semaphore_mem>>)
    %dma_start3A_112 = arith.constant 1 : i32
    %dma_start3A_113 = arith.constant 1 : i32
    %dma_start3A_114 = arith.constant 1 : i32
    %dma_start3A_115 = arith.constant 128 : i32
    %dma_start3A_116 = arith.constant 0 : i32
    %dma_start3A_117 = tpu.memref_slice %arg6[%dma_start3A_114, %dma_start3A_115, %dma_start3A_116] : memref<2x256x128xf32, #tpu.memory_space<vmem>> -> memref<1x128x128xf32, #tpu.memory_space<vmem>>
    %dma_start3A_118 = tpu.memref_squeeze %dma_start3A_117 : memref<1x128x128xf32, #tpu.memory_space<vmem>> -> memref<128x128xf32, #tpu.memory_space<vmem>>
    %dma_start3A_119 = arith.constant 0 : i32
    %dma_start3A_120 = tpu.memref_slice %arg5[%dma_start3A_112, %dma_start3A_113, %dma_start3A_119] : memref<2x2x128xi32, #tpu.memory_space<vmem>> -> memref<1x1x128xi32, #tpu.memory_space<vmem>>
    %dma_start3A_121 = tpu.memref_squeeze %dma_start3A_120 : memref<1x1x128xi32, #tpu.memory_space<vmem>> -> memref<128xi32, #tpu.memory_space<vmem>>
    %dma_start3A_122 = arith.constant 0 : i32
    %dma_start3A_123 = arith.constant 0 : i32
    %dma_start3A_124 = tpu.memref_slice %arg2[%dma_start3A_122, %dma_start3A_123] : memref<1024x128xf32, #tpu.memory_space<hbm>> -> memref<1024x128xf32, #tpu.memory_space<hbm>>
    tpu.enqueue_indirect_dma source(%dma_start3A_124 : memref<1024x128xf32, #tpu.memory_space<hbm>>) target(%dma_start3A_118 : memref<128x128xf32, #tpu.memory_space<vmem>>) offsets(%dma_start3A_121 : memref<128xi32, #tpu.memory_space<vmem>>) semaphore(%arg8 : memref<!tpu.dma_semaphore, #tpu.memory_space<semaphore_mem>>)
    %dma_wait3A_125 = arith.constant 1 : i32
    %dma_wait3A_126 = arith.constant 0 : i32
    %dma_wait3A_127 = arith.constant 1 : i32
    %dma_wait3A_128 = arith.constant 0 : i32
    %dma_wait3A_129 = arith.constant 0 : i32
    %dma_wait3A_130 = tpu.memref_slice %arg6[%dma_wait3A_127, %dma_wait3A_128, %dma_wait3A_129] : memref<2x256x128xf32, #tpu.memory_space<vmem>> -> memref<1x128x128xf32, #tpu.memory_space<vmem>>
    %dma_wait3A_131 = tpu.memref_squeeze %dma_wait3A_130 : memref<1x128x128xf32, #tpu.memory_space<vmem>> -> memref<128x128xf32, #tpu.memory_space<vmem>>
    %dma_wait3A_132 = arith.constant 0 : i32
    %dma_wait3A_133 = tpu.memref_slice %arg5[%dma_wait3A_125, %dma_wait3A_126, %dma_wait3A_132] : memref<2x2x128xi32, #tpu.memory_space<vmem>> -> memref<1x1x128xi32, #tpu.memory_space<vmem>>
    %dma_wait3A_134 = tpu.memref_squeeze %dma_wait3A_133 : memref<1x1x128xi32, #tpu.memory_space<vmem>> -> memref<128xi32, #tpu.memory_space<vmem>>
    %dma_wait3A_135 = arith.constant 0 : i32
    %dma_wait3A_136 = arith.constant 0 : i32
    %dma_wait3A_137 = tpu.memref_slice %arg2[%dma_wait3A_135, %dma_wait3A_136] : memref<1024x128xf32, #tpu.memory_space<hbm>> -> memref<1024x128xf32, #tpu.memory_space<hbm>>
    tpu.wait_indirect_dma semaphore(%arg8 : memref<!tpu.dma_semaphore, #tpu.memory_space<semaphore_mem>>) src(%dma_wait3A_137 : memref<1024x128xf32, #tpu.memory_space<hbm>>) dst(%dma_wait3A_131 : memref<128x128xf32, #tpu.memory_space<vmem>>)
    %dma_wait3A_138 = arith.constant 1 : i32
    %dma_wait3A_139 = arith.constant 1 : i32
    %dma_wait3A_140 = arith.constant 1 : i32
    %dma_wait3A_141 = arith.constant 128 : i32
    %dma_wait3A_142 = arith.constant 0 : i32
    %dma_wait3A_143 = tpu.memref_slice %arg6[%dma_wait3A_140, %dma_wait3A_141, %dma_wait3A_142] : memref<2x256x128xf32, #tpu.memory_space<vmem>> -> memref<1x128x128xf32, #tpu.memory_space<vmem>>
    %dma_wait3A_144 = tpu.memref_squeeze %dma_wait3A_143 : memref<1x128x128xf32, #tpu.memory_space<vmem>> -> memref<128x128xf32, #tpu.memory_space<vmem>>
    %dma_wait3A_145 = arith.constant 0 : i32
    %dma_wait3A_146 = tpu.memref_slice %arg5[%dma_wait3A_138, %dma_wait3A_139, %dma_wait3A_145] : memref<2x2x128xi32, #tpu.memory_space<vmem>> -> memref<1x1x128xi32, #tpu.memory_space<vmem>>
    %dma_wait3A_147 = tpu.memref_squeeze %dma_wait3A_146 : memref<1x1x128xi32, #tpu.memory_space<vmem>> -> memref<128xi32, #tpu.memory_space<vmem>>
    %dma_wait3A_148 = arith.constant 0 : i32
    %dma_wait3A_149 = arith.constant 0 : i32
    %dma_wait3A_150 = tpu.memref_slice %arg2[%dma_wait3A_148, %dma_wait3A_149] : memref<1024x128xf32, #tpu.memory_space<hbm>> -> memref<1024x128xf32, #tpu.memory_space<hbm>>
    tpu.wait_indirect_dma semaphore(%arg8 : memref<!tpu.dma_semaphore, #tpu.memory_space<semaphore_mem>>) src(%dma_wait3A_150 : memref<1024x128xf32, #tpu.memory_space<hbm>>) dst(%dma_wait3A_144 : memref<128x128xf32, #tpu.memory_space<vmem>>)
    %dma_start3A_151 = arith.constant 1 : i32
    %dma_start3A_152 = arith.constant 0 : i32
    %dma_start3A_153 = arith.constant 0 : i32
    %dma_start3A_154 = tpu.memref_slice %arg6[%dma_start3A_151, %dma_start3A_152, %dma_start3A_153] : memref<2x256x128xf32, #tpu.memory_space<vmem>> -> memref<1x256x128xf32, #tpu.memory_space<vmem>>
    %dma_start3A_155 = tpu.memref_squeeze %dma_start3A_154 : memref<1x256x128xf32, #tpu.memory_space<vmem>> -> memref<256x128xf32, #tpu.memory_space<vmem>>
    %dma_start3A_156 = arith.constant 0 : i32
    %dma_start3A_157 = tpu.memref_slice %arg4[%add3A_92, %dma_start3A_156] : memref<16384x128xf32, #tpu.memory_space<hbm>> -> memref<256x128xf32, #tpu.memory_space<hbm>>
    %dma_start3A_158 = arith.constant 0 : i32
    %dma_start3A_159 = tpu.memref_slice %arg4[%add3A_92, %dma_start3A_158] : memref<16384x128xf32, #tpu.memory_space<hbm>> -> memref<256x128xf32, #tpu.memory_space<hbm>>
    %dma_start3A_160 = arith.constant 0 : i32
    %dma_start3A_161 = arith.constant 0 : i32
    %dma_start3A_162 = tpu.memref_slice %arg6[%dma_start3A_151, %dma_start3A_160, %dma_start3A_161] : memref<2x256x128xf32, #tpu.memory_space<vmem>> -> memref<1x256x128xf32, #tpu.memory_space<vmem>>
    %dma_start3A_163 = tpu.memref_squeeze %dma_start3A_162 : memref<1x256x128xf32, #tpu.memory_space<vmem>> -> memref<256x128xf32, #tpu.memory_space<vmem>>
    tpu.enqueue_dma source(%dma_start3A_163 : memref<256x128xf32, #tpu.memory_space<vmem>>) target(%dma_start3A_159 : memref<256x128xf32, #tpu.memory_space<hbm>>) target_semaphore(%arg10 : memref<!tpu.dma_semaphore, #tpu.memory_space<semaphore_mem>>)
    %scan3A_164 = arith.constant 1 : i32
    %add3A_165 = arith.constant 0 : i32
    %add3A_166 = arith.addi %mul3A_2, %add3A_165 : i32
    %dma_wait3A_167 = arith.constant 0 : i32
    %dma_wait3A_168 = arith.constant 0 : i32
    %dma_wait3A_169 = arith.constant 0 : i32
    %dma_wait3A_170 = tpu.memref_slice %arg6[%dma_wait3A_167, %dma_wait3A_168, %dma_wait3A_169] : memref<2x256x128xf32, #tpu.memory_space<vmem>> -> memref<1x256x128xf32, #tpu.memory_space<vmem>>
    %dma_wait3A_171 = tpu.memref_squeeze %dma_wait3A_170 : memref<1x256x128xf32, #tpu.memory_space<vmem>> -> memref<256x128xf32, #tpu.memory_space<vmem>>
    %dma_wait3A_172 = arith.constant 0 : i32
    %dma_wait3A_173 = tpu.memref_slice %arg4[%add3A_166, %dma_wait3A_172] : memref<16384x128xf32, #tpu.memory_space<hbm>> -> memref<256x128xf32, #tpu.memory_space<hbm>>
    %dma_wait3A_174 = arith.constant 0 : i32
    %dma_wait3A_175 = tpu.memref_slice %arg4[%add3A_166, %dma_wait3A_174] : memref<16384x128xf32, #tpu.memory_space<hbm>> -> memref<256x128xf32, #tpu.memory_space<hbm>>
    %dma_wait3A_176 = arith.constant 0 : i32
    %dma_wait3A_177 = arith.constant 0 : i32
    %dma_wait3A_178 = tpu.memref_slice %arg6[%dma_wait3A_167, %dma_wait3A_176, %dma_wait3A_177] : memref<2x256x128xf32, #tpu.memory_space<vmem>> -> memref<1x256x128xf32, #tpu.memory_space<vmem>>
    %dma_wait3A_179 = tpu.memref_squeeze %dma_wait3A_178 : memref<1x256x128xf32, #tpu.memory_space<vmem>> -> memref<256x128xf32, #tpu.memory_space<vmem>>
    tpu.wait_dma2 semaphore(%arg9 : memref<!tpu.dma_semaphore, #tpu.memory_space<semaphore_mem>>) src(%dma_wait3A_179 : memref<256x128xf32, #tpu.memory_space<vmem>>) dst(%dma_wait3A_175 : memref<256x128xf32, #tpu.memory_space<hbm>>)
    %add3A_180 = arith.constant 256 : i32
    %add3A_181 = arith.addi %mul3A_2, %add3A_180 : i32
    %dma_wait3A_182 = arith.constant 1 : i32
    %dma_wait3A_183 = arith.constant 0 : i32
    %dma_wait3A_184 = arith.constant 0 : i32
    %dma_wait3A_185 = tpu.memref_slice %arg6[%dma_wait3A_182, %dma_wait3A_183, %dma_wait3A_184] : memref<2x256x128xf32, #tpu.memory_space<vmem>> -> memref<1x256x128xf32, #tpu.memory_space<vmem>>
    %dma_wait3A_186 = tpu.memref_squeeze %dma_wait3A_185 : memref<1x256x128xf32, #tpu.memory_space<vmem>> -> memref<256x128xf32, #tpu.memory_space<vmem>>
    %dma_wait3A_187 = arith.constant 0 : i32
    %dma_wait3A_188 = tpu.memref_slice %arg4[%add3A_181, %dma_wait3A_187] : memref<16384x128xf32, #tpu.memory_space<hbm>> -> memref<256x128xf32, #tpu.memory_space<hbm>>
    %dma_wait3A_189 = arith.constant 0 : i32
    %dma_wait3A_190 = tpu.memref_slice %arg4[%add3A_181, %dma_wait3A_189] : memref<16384x128xf32, #tpu.memory_space<hbm>> -> memref<256x128xf32, #tpu.memory_space<hbm>>
    %dma_wait3A_191 = arith.constant 0 : i32
    %dma_wait3A_192 = arith.constant 0 : i32
    %dma_wait3A_193 = tpu.memref_slice %arg6[%dma_wait3A_182, %dma_wait3A_191, %dma_wait3A_192] : memref<2x256x128xf32, #tpu.memory_space<vmem>> -> memref<1x256x128xf32, #tpu.memory_space<vmem>>
    %dma_wait3A_194 = tpu.memref_squeeze %dma_wait3A_193 : memref<1x256x128xf32, #tpu.memory_space<vmem>> -> memref<256x128xf32, #tpu.memory_space<vmem>>
    tpu.wait_dma2 semaphore(%arg10 : memref<!tpu.dma_semaphore, #tpu.memory_space<semaphore_mem>>) src(%dma_wait3A_194 : memref<256x128xf32, #tpu.memory_space<vmem>>) dst(%dma_wait3A_190 : memref<256x128xf32, #tpu.memory_space<hbm>>)
    return
  }
}

module attributes {stable_mosaic.version = 14 : i64} {
  func.func @_matmul_body(%arg0: i32, %arg1: memref<128x1024xbf16, #tpu.memory_space<vmem>>, %arg2: memref<1x1x4096xi32, #tpu.memory_space<vmem>>, %arg3: memref<1x64x4096xf32, #tpu.memory_space<vmem>>, %arg4: memref<1x64x4096xf32, #tpu.memory_space<vmem>>) attributes {dimension_semantics = [#tpu.dimension_semantics<arbitrary>], iteration_bounds = array<i64: 8>, scalar_prefetch = 0 : i64, scratch_operands = 0 : i64, tpu.core_type = #tpu.core_type<tc>, window_params = [{pipeline_mode = #tpu.pipeline_mode<synchronous>, transform_indices = @transform_0, window_bounds = array<i64: 128, 1024>}, {transform_indices = @transform_1, window_bounds = array<i64: 1, 1, 4096>}, {transform_indices = @transform_2, window_bounds = array<i64: 1, 64, 4096>}, {transform_indices = @transform_3, window_bounds = array<i64: 1, 64, 4096>}]} {
    %get3A = arith.constant 0 : index
    %get3A_0 = arith.constant 0 : index
    %get3A_1 = arith.constant 0 : index
    %get3A_2 = vector.load %arg2[%get3A, %get3A_0, %get3A_1] : memref<1x1x4096xi32, #tpu.memory_space<vmem>>, vector<1x1x4096xi32>
    %get3A_3 = vector.shape_cast %get3A_2 : vector<1x1x4096xi32> to vector<4096xi32>
    %iota3A = tpu.iota {dimensions = array<i32: 0>} : vector<1024x4096xi32>
    %broadcast_in_dim3A = vector.shape_cast %get3A_3 : vector<4096xi32> to vector<1x4096xi32>
    %eq3A = vector.broadcast %broadcast_in_dim3A : vector<1x4096xi32> to vector<1024x4096xi32>
    %eq3A_4 = arith.cmpi eq, %iota3A, %eq3A : vector<1024x4096xi32>
    %convert_element_type3A = arith.extui %eq3A_4 : vector<1024x4096xi1> to vector<1024x4096xi32>
    %convert_element_type3A_5 = arith.sitofp %convert_element_type3A : vector<1024x4096xi32> to vector<1024x4096xf32>
    %convert_element_type3A_6 = arith.truncf %convert_element_type3A_5 : vector<1024x4096xf32> to vector<1024x4096xbf16>
    %get3A_7 = arith.constant 0 : index
    %get3A_8 = arith.constant 0 : index
    %get3A_9 = vector.load %arg1[%get3A_7, %get3A_8] : memref<128x1024xbf16, #tpu.memory_space<vmem>>, vector<128x1024xbf16>
    %dot_general3A = arith.constant dense<0.000000e+00> : vector<128x4096xf32>
    %dot_general3A_10 = tpu.matmul %get3A_9, %convert_element_type3A_6, %dot_general3A {dimension_numbers = #tpu.dot_dimension_numbers<[1], [0], [0], [1], [0, 0, 1, 1], [], []>, transpose_lhs_hint = false} : vector<128x1024xbf16>, vector<1024x4096xbf16>, vector<128x4096xf32> -> vector<128x4096xf32>
    %slice3A = vector.extract_strided_slice %dot_general3A_10 {offsets = [0, 0], sizes = [64, 4096], strides = [1, 1]} : vector<128x4096xf32> to vector<64x4096xf32>
    %swap3A = arith.constant 0 : index
    %swap3A_11 = arith.constant 0 : index
    %swap3A_12 = arith.constant 0 : index
    %swap3A_13 = vector.load %arg3[%swap3A, %swap3A_11, %swap3A_12] : memref<1x64x4096xf32, #tpu.memory_space<vmem>>, vector<1x64x4096xf32>
    %swap3A_14 = vector.shape_cast %swap3A_13 : vector<1x64x4096xf32> to vector<64x4096xf32>
    %swap3A_15 = vector.shape_cast %slice3A : vector<64x4096xf32> to vector<1x64x4096xf32>
    tpu.vector_store %arg3[%swap3A, %swap3A_11, %swap3A_12], %swap3A_15 {strides = array<i32>} : memref<1x64x4096xf32, #tpu.memory_space<vmem>>, vector<1x64x4096xf32>,
    %slice3A_16 = vector.extract_strided_slice %dot_general3A_10 {offsets = [64, 0], sizes = [64, 4096], strides = [1, 1]} : vector<128x4096xf32> to vector<64x4096xf32>
    %swap3A_17 = arith.constant 0 : index
    %swap3A_18 = arith.constant 0 : index
    %swap3A_19 = arith.constant 0 : index
    %swap3A_20 = vector.load %arg4[%swap3A_17, %swap3A_18, %swap3A_19] : memref<1x64x4096xf32, #tpu.memory_space<vmem>>, vector<1x64x4096xf32>
    %swap3A_21 = vector.shape_cast %swap3A_20 : vector<1x64x4096xf32> to vector<64x4096xf32>
    %swap3A_22 = vector.shape_cast %slice3A_16 : vector<64x4096xf32> to vector<1x64x4096xf32>
    tpu.vector_store %arg4[%swap3A_17, %swap3A_18, %swap3A_19], %swap3A_22 {strides = array<i32>} : memref<1x64x4096xf32, #tpu.memory_space<vmem>>, vector<1x64x4096xf32>,
    return
  }
  func.func @transform_0(%arg0: i32) -> (i32, i32) {
    %c0_i32 = arith.constant 0 : i32
    %c0_i32_0 = arith.constant 0 : i32
    %c0_i32_1 = arith.constant 0 : i32
    return %c0_i32, %c0_i32_0 : i32, i32
  }
  func.func @transform_1(%arg0: i32) -> (i32, i32, i32) {
    %add3A = arith.constant 8 : i32
    %add3A_0 = arith.addi %add3A, %arg0 : i32
    %c0_i32 = arith.constant 0 : i32
    %c0_i32_1 = arith.constant 0 : i32
    %c0_i32_2 = arith.constant 0 : i32
    return %add3A_0, %c0_i32, %c0_i32_1 : i32, i32, i32
  }
  func.func @transform_2(%arg0: i32) -> (i32, i32, i32) {
    %jit3A = arith.constant 1 : i32
    %div3A = arith.divsi %arg0, %jit3A : i32
    %sign3A = arith.constant 0 : i32
    %sign3A_0 = arith.cmpi sgt, %arg0, %sign3A : i32
    %sign3A_1 = arith.extui %sign3A_0 : i1 to i32
    %sign3A_2 = arith.constant 0 : i32
    %sign3A_3 = arith.cmpi slt, %arg0, %sign3A_2 : i32
    %sign3A_4 = arith.extui %sign3A_3 : i1 to i32
    %sign3A_5 = arith.subi %sign3A_1, %sign3A_4 : i32
    %sign3A_6 = arith.constant 0 : i32
    %sign3A_7 = arith.cmpi sgt, %jit3A, %sign3A_6 : i32
    %sign3A_8 = arith.extui %sign3A_7 : i1 to i32
    %sign3A_9 = arith.constant 0 : i32
    %sign3A_10 = arith.cmpi slt, %jit3A, %sign3A_9 : i32
    %sign3A_11 = arith.extui %sign3A_10 : i1 to i32
    %sign3A_12 = arith.subi %sign3A_8, %sign3A_11 : i32
    %ne3A = arith.cmpi ne, %sign3A_5, %sign3A_12 : i32
    %rem3A = arith.remsi %arg0, %jit3A : i32
    %ne3A_13 = arith.constant 0 : i32
    %ne3A_14 = arith.cmpi ne, %rem3A, %ne3A_13 : i32
    %and3A = arith.andi %ne3A, %ne3A_14 : i1
    %sub3A = arith.constant 1 : i32
    %sub3A_15 = arith.subi %div3A, %sub3A : i32
    %select_n3A = arith.select %and3A, %sub3A_15, %div3A : i32
    %add3A = arith.constant 8 : i32
    %add3A_16 = arith.addi %add3A, %select_n3A : i32
    %jit3A_17 = arith.constant 1 : i32
    %eq3A = arith.constant 0 : i32
    %eq3A_18 = arith.cmpi eq, %jit3A_17, %eq3A : i32
    %jit3A_19 = arith.constant 1 : i32
    %select_n3A_20 = arith.select %eq3A_18, %jit3A_19, %jit3A_17 : i32
    %rem3A_21 = arith.remsi %arg0, %select_n3A_20 : i32
    %ne3A_22 = arith.constant 0 : i32
    %ne3A_23 = arith.cmpi ne, %rem3A_21, %ne3A_22 : i32
    %lt3A = arith.constant 0 : i32
    %lt3A_24 = arith.cmpi slt, %rem3A_21, %lt3A : i32
    %lt3A_25 = arith.constant 0 : i32
    %lt3A_26 = arith.cmpi slt, %select_n3A_20, %lt3A_25 : i32
    %ne3A_27 = arith.xori %lt3A_24, %lt3A_26 : i1
    %and3A_28 = arith.andi %ne3A_27, %ne3A_23 : i1
    %add3A_29 = arith.addi %rem3A_21, %select_n3A_20 : i32
    %select_n3A_30 = arith.select %and3A_28, %add3A_29, %rem3A_21 : i32
    %c0_i32 = arith.constant 0 : i32
    %c0_i32_31 = arith.constant 0 : i32
    return %add3A_16, %c0_i32, %select_n3A_30 : i32, i32, i32
  }
  func.func @transform_3(%arg0: i32) -> (i32, i32, i32) {
    %jit3A = arith.constant 1 : i32
    %div3A = arith.divsi %arg0, %jit3A : i32
    %sign3A = arith.constant 0 : i32
    %sign3A_0 = arith.cmpi sgt, %arg0, %sign3A : i32
    %sign3A_1 = arith.extui %sign3A_0 : i1 to i32
    %sign3A_2 = arith.constant 0 : i32
    %sign3A_3 = arith.cmpi slt, %arg0, %sign3A_2 : i32
    %sign3A_4 = arith.extui %sign3A_3 : i1 to i32
    %sign3A_5 = arith.subi %sign3A_1, %sign3A_4 : i32
    %sign3A_6 = arith.constant 0 : i32
    %sign3A_7 = arith.cmpi sgt, %jit3A, %sign3A_6 : i32
    %sign3A_8 = arith.extui %sign3A_7 : i1 to i32
    %sign3A_9 = arith.constant 0 : i32
    %sign3A_10 = arith.cmpi slt, %jit3A, %sign3A_9 : i32
    %sign3A_11 = arith.extui %sign3A_10 : i1 to i32
    %sign3A_12 = arith.subi %sign3A_8, %sign3A_11 : i32
    %ne3A = arith.cmpi ne, %sign3A_5, %sign3A_12 : i32
    %rem3A = arith.remsi %arg0, %jit3A : i32
    %ne3A_13 = arith.constant 0 : i32
    %ne3A_14 = arith.cmpi ne, %rem3A, %ne3A_13 : i32
    %and3A = arith.andi %ne3A, %ne3A_14 : i1
    %sub3A = arith.constant 1 : i32
    %sub3A_15 = arith.subi %div3A, %sub3A : i32
    %select_n3A = arith.select %and3A, %sub3A_15, %div3A : i32
    %add3A = arith.constant 8 : i32
    %add3A_16 = arith.addi %add3A, %select_n3A : i32
    %jit3A_17 = arith.constant 1 : i32
    %eq3A = arith.constant 0 : i32
    %eq3A_18 = arith.cmpi eq, %jit3A_17, %eq3A : i32
    %jit3A_19 = arith.constant 1 : i32
    %select_n3A_20 = arith.select %eq3A_18, %jit3A_19, %jit3A_17 : i32
    %rem3A_21 = arith.remsi %arg0, %select_n3A_20 : i32
    %ne3A_22 = arith.constant 0 : i32
    %ne3A_23 = arith.cmpi ne, %rem3A_21, %ne3A_22 : i32
    %lt3A = arith.constant 0 : i32
    %lt3A_24 = arith.cmpi slt, %rem3A_21, %lt3A : i32
    %lt3A_25 = arith.constant 0 : i32
    %lt3A_26 = arith.cmpi slt, %select_n3A_20, %lt3A_25 : i32
    %ne3A_27 = arith.xori %lt3A_24, %lt3A_26 : i1
    %and3A_28 = arith.andi %ne3A_27, %ne3A_23 : i1
    %add3A_29 = arith.addi %rem3A_21, %select_n3A_20 : i32
    %select_n3A_30 = arith.select %and3A_28, %add3A_29, %rem3A_21 : i32
    %c0_i32 = arith.constant 0 : i32
    %c0_i32_31 = arith.constant 0 : i32
    return %add3A_16, %c0_i32, %select_n3A_30 : i32, i32, i32
  }
}

module attributes {stable_mosaic.version = 14 : i64} {
  func.func @_tables_body(%arg0: memref<64x1024xf32, #tpu.memory_space<vmem>>, %arg1: memref<1024x128xf32, #tpu.memory_space<vmem>>, %arg2: memref<128x1024xbf16, #tpu.memory_space<vmem>>) attributes {dimension_semantics = [], scalar_prefetch = 0 : i64, scratch_operands = 0 : i64, tpu.core_type = #tpu.core_type<tc>} {
    %get3A = arith.constant 0 : index
    %get3A_0 = arith.constant 0 : index
    %get3A_1 = vector.load %arg0[%get3A, %get3A_0] : memref<64x1024xf32, #tpu.memory_space<vmem>>, vector<64x1024xf32>
    %cos3A = math.cos %get3A_1 : vector<64x1024xf32>
    %sin3A = math.sin %get3A_1 : vector<64x1024xf32>
    %transpose3A = tpu.transpose %cos3A, [1, 0] : vector<64x1024xf32> -> vector<1024x64xf32>
    %swap3A = arith.constant 0 : index
    %swap3A_2 = arith.constant 0 : index
    %swap3A_3 = vector.load %arg1[%swap3A, %swap3A_2] : memref<1024x128xf32, #tpu.memory_space<vmem>>, vector<1024x64xf32>
    tpu.vector_store %arg1[%swap3A, %swap3A_2], %transpose3A {strides = array<i32>} : memref<1024x128xf32, #tpu.memory_space<vmem>>, vector<1024x64xf32>,
    %transpose3A_4 = tpu.transpose %sin3A, [1, 0] : vector<64x1024xf32> -> vector<1024x64xf32>
    %swap3A_5 = arith.constant 0 : index
    %swap3A_6 = arith.constant 64 : index
    %swap3A_7 = vector.load %arg1[%swap3A_5, %swap3A_6] : memref<1024x128xf32, #tpu.memory_space<vmem>>, vector<1024x64xf32>
    tpu.vector_store %arg1[%swap3A_5, %swap3A_6], %transpose3A_4 {strides = array<i32>} : memref<1024x128xf32, #tpu.memory_space<vmem>>, vector<1024x64xf32>,
    %convert_element_type3A = arith.truncf %cos3A : vector<64x1024xf32> to vector<64x1024xbf16>
    %swap3A_8 = arith.constant 0 : index
    %swap3A_9 = arith.constant 0 : index
    %swap3A_10 = vector.load %arg2[%swap3A_8, %swap3A_9] : memref<128x1024xbf16, #tpu.memory_space<vmem>>, vector<64x1024xbf16>
    tpu.vector_store %arg2[%swap3A_8, %swap3A_9], %convert_element_type3A {strides = array<i32>} : memref<128x1024xbf16, #tpu.memory_space<vmem>>, vector<64x1024xbf16>,
    %convert_element_type3A_11 = arith.truncf %sin3A : vector<64x1024xf32> to vector<64x1024xbf16>
    %swap3A_12 = arith.constant 64 : index
    %swap3A_13 = arith.constant 0 : index
    %swap3A_14 = vector.load %arg2[%swap3A_12, %swap3A_13] : memref<128x1024xbf16, #tpu.memory_space<vmem>>, vector<64x1024xbf16>
    tpu.vector_store %arg2[%swap3A_12, %swap3A_13], %convert_element_type3A_11 {strides = array<i32>} : memref<128x1024xbf16, #tpu.memory_space<vmem>>, vector<64x1024xbf16>,
    return
  }
}

module attributes {stable_mosaic.version = 14 : i64} {
  func.func @_split_rest_body(%arg0: i32, %arg1: memref<1x2048x128xf32, #tpu.memory_space<vmem>>, %arg2: memref<16x64x4096xf32, #tpu.memory_space<any>>, %arg3: memref<16x64x4096xf32, #tpu.memory_space<any>>, %arg4: memref<1x64x2048xf32, #tpu.memory_space<vmem>>, %arg5: memref<1x64x2048xf32, #tpu.memory_space<vmem>>) attributes {dimension_semantics = [#tpu.dimension_semantics<arbitrary>], iteration_bounds = array<i64: 8>, scalar_prefetch = 0 : i64, scratch_operands = 0 : i64, tpu.core_type = #tpu.core_type<tc>, window_params = [{transform_indices = @transform_0, window_bounds = array<i64: 1, 2048, 128>}, {}, {}, {transform_indices = @transform_3, window_bounds = array<i64: 1, 64, 2048>}, {transform_indices = @transform_4, window_bounds = array<i64: 1, 64, 2048>}]} {
    %get3A = arith.constant 0 : index
    %get3A_0 = arith.constant 0 : index
    %get3A_1 = arith.constant 0 : index
    %get3A_2 = vector.load %arg1[%get3A, %get3A_0, %get3A_1] : memref<1x2048x128xf32, #tpu.memory_space<vmem>>, vector<1x2048x128xf32>
    %get3A_3 = vector.shape_cast %get3A_2 : vector<1x2048x128xf32> to vector<2048x128xf32>
    %slice3A = vector.extract_strided_slice %get3A_3 {offsets = [0, 0], sizes = [2048, 64], strides = [1, 1]} : vector<2048x128xf32> to vector<2048x64xf32>
    %transpose3A = tpu.transpose %slice3A, [1, 0] : vector<2048x64xf32> -> vector<64x2048xf32>
    %swap3A = arith.constant 0 : index
    %swap3A_4 = arith.constant 0 : index
    %swap3A_5 = arith.constant 0 : index
    %swap3A_6 = vector.load %arg4[%swap3A, %swap3A_4, %swap3A_5] : memref<1x64x2048xf32, #tpu.memory_space<vmem>>, vector<1x64x2048xf32>
    %swap3A_7 = vector.shape_cast %swap3A_6 : vector<1x64x2048xf32> to vector<64x2048xf32>
    %swap3A_8 = vector.shape_cast %transpose3A : vector<64x2048xf32> to vector<1x64x2048xf32>
    tpu.vector_store %arg4[%swap3A, %swap3A_4, %swap3A_5], %swap3A_8 {strides = array<i32>} : memref<1x64x2048xf32, #tpu.memory_space<vmem>>, vector<1x64x2048xf32>,
    %slice3A_9 = vector.extract_strided_slice %get3A_3 {offsets = [0, 64], sizes = [2048, 64], strides = [1, 1]} : vector<2048x128xf32> to vector<2048x64xf32>
    %transpose3A_10 = tpu.transpose %slice3A_9, [1, 0] : vector<2048x64xf32> -> vector<64x2048xf32>
    %swap3A_11 = arith.constant 0 : index
    %swap3A_12 = arith.constant 0 : index
    %swap3A_13 = arith.constant 0 : index
    %swap3A_14 = vector.load %arg5[%swap3A_11, %swap3A_12, %swap3A_13] : memref<1x64x2048xf32, #tpu.memory_space<vmem>>, vector<1x64x2048xf32>
    %swap3A_15 = vector.shape_cast %swap3A_14 : vector<1x64x2048xf32> to vector<64x2048xf32>
    %swap3A_16 = vector.shape_cast %transpose3A_10 : vector<64x2048xf32> to vector<1x64x2048xf32>
    tpu.vector_store %arg5[%swap3A_11, %swap3A_12, %swap3A_13], %swap3A_16 {strides = array<i32>} : memref<1x64x2048xf32, #tpu.memory_space<vmem>>, vector<1x64x2048xf32>,
    return
  }
  func.func @transform_0(%arg0: i32) -> (i32, i32, i32) {
    %jit3A = arith.constant 2 : i32
    %div3A = arith.divsi %arg0, %jit3A : i32
    %sign3A = arith.constant 0 : i32
    %sign3A_0 = arith.cmpi sgt, %arg0, %sign3A : i32
    %sign3A_1 = arith.extui %sign3A_0 : i1 to i32
    %sign3A_2 = arith.constant 0 : i32
    %sign3A_3 = arith.cmpi slt, %arg0, %sign3A_2 : i32
    %sign3A_4 = arith.extui %sign3A_3 : i1 to i32
    %sign3A_5 = arith.subi %sign3A_1, %sign3A_4 : i32
    %sign3A_6 = arith.constant 0 : i32
    %sign3A_7 = arith.cmpi sgt, %jit3A, %sign3A_6 : i32
    %sign3A_8 = arith.extui %sign3A_7 : i1 to i32
    %sign3A_9 = arith.constant 0 : i32
    %sign3A_10 = arith.cmpi slt, %jit3A, %sign3A_9 : i32
    %sign3A_11 = arith.extui %sign3A_10 : i1 to i32
    %sign3A_12 = arith.subi %sign3A_8, %sign3A_11 : i32
    %ne3A = arith.cmpi ne, %sign3A_5, %sign3A_12 : i32
    %rem3A = arith.remsi %arg0, %jit3A : i32
    %ne3A_13 = arith.constant 0 : i32
    %ne3A_14 = arith.cmpi ne, %rem3A, %ne3A_13 : i32
    %and3A = arith.andi %ne3A, %ne3A_14 : i1
    %sub3A = arith.constant 1 : i32
    %sub3A_15 = arith.subi %div3A, %sub3A : i32
    %select_n3A = arith.select %and3A, %sub3A_15, %div3A : i32
    %jit3A_16 = arith.constant 2 : i32
    %eq3A = arith.constant 0 : i32
    %eq3A_17 = arith.cmpi eq, %jit3A_16, %eq3A : i32
    %jit3A_18 = arith.constant 1 : i32
    %select_n3A_19 = arith.select %eq3A_17, %jit3A_18, %jit3A_16 : i32
    %rem3A_20 = arith.remsi %arg0, %select_n3A_19 : i32
    %ne3A_21 = arith.constant 0 : i32
    %ne3A_22 = arith.cmpi ne, %rem3A_20, %ne3A_21 : i32
    %lt3A = arith.constant 0 : i32
    %lt3A_23 = arith.cmpi slt, %rem3A_20, %lt3A : i32
    %lt3A_24 = arith.constant 0 : i32
    %lt3A_25 = arith.cmpi slt, %select_n3A_19, %lt3A_24 : i32
    %ne3A_26 = arith.xori %lt3A_23, %lt3A_25 : i1
    %and3A_27 = arith.andi %ne3A_26, %ne3A_22 : i1
    %add3A = arith.addi %rem3A_20, %select_n3A_19 : i32
    %select_n3A_28 = arith.select %and3A_27, %add3A, %rem3A_20 : i32
    %c0_i32 = arith.constant 0 : i32
    %c0_i32_29 = arith.constant 0 : i32
    return %select_n3A, %select_n3A_28, %c0_i32 : i32, i32, i32
  }
  func.func @transform_3(%arg0: i32) -> (i32, i32, i32) {
    %jit3A = arith.constant 2 : i32
    %div3A = arith.divsi %arg0, %jit3A : i32
    %sign3A = arith.constant 0 : i32
    %sign3A_0 = arith.cmpi sgt, %arg0, %sign3A : i32
    %sign3A_1 = arith.extui %sign3A_0 : i1 to i32
    %sign3A_2 = arith.constant 0 : i32
    %sign3A_3 = arith.cmpi slt, %arg0, %sign3A_2 : i32
    %sign3A_4 = arith.extui %sign3A_3 : i1 to i32
    %sign3A_5 = arith.subi %sign3A_1, %sign3A_4 : i32
    %sign3A_6 = arith.constant 0 : i32
    %sign3A_7 = arith.cmpi sgt, %jit3A, %sign3A_6 : i32
    %sign3A_8 = arith.extui %sign3A_7 : i1 to i32
    %sign3A_9 = arith.constant 0 : i32
    %sign3A_10 = arith.cmpi slt, %jit3A, %sign3A_9 : i32
    %sign3A_11 = arith.extui %sign3A_10 : i1 to i32
    %sign3A_12 = arith.subi %sign3A_8, %sign3A_11 : i32
    %ne3A = arith.cmpi ne, %sign3A_5, %sign3A_12 : i32
    %rem3A = arith.remsi %arg0, %jit3A : i32
    %ne3A_13 = arith.constant 0 : i32
    %ne3A_14 = arith.cmpi ne, %rem3A, %ne3A_13 : i32
    %and3A = arith.andi %ne3A, %ne3A_14 : i1
    %sub3A = arith.constant 1 : i32
    %sub3A_15 = arith.subi %div3A, %sub3A : i32
    %select_n3A = arith.select %and3A, %sub3A_15, %div3A : i32
    %add3A = arith.constant 0 : i32
    %add3A_16 = arith.addi %add3A, %select_n3A : i32
    %jit3A_17 = arith.constant 2 : i32
    %eq3A = arith.constant 0 : i32
    %eq3A_18 = arith.cmpi eq, %jit3A_17, %eq3A : i32
    %jit3A_19 = arith.constant 1 : i32
    %select_n3A_20 = arith.select %eq3A_18, %jit3A_19, %jit3A_17 : i32
    %rem3A_21 = arith.remsi %arg0, %select_n3A_20 : i32
    %ne3A_22 = arith.constant 0 : i32
    %ne3A_23 = arith.cmpi ne, %rem3A_21, %ne3A_22 : i32
    %lt3A = arith.constant 0 : i32
    %lt3A_24 = arith.cmpi slt, %rem3A_21, %lt3A : i32
    %lt3A_25 = arith.constant 0 : i32
    %lt3A_26 = arith.cmpi slt, %select_n3A_20, %lt3A_25 : i32
    %ne3A_27 = arith.xori %lt3A_24, %lt3A_26 : i1
    %and3A_28 = arith.andi %ne3A_27, %ne3A_23 : i1
    %add3A_29 = arith.addi %rem3A_21, %select_n3A_20 : i32
    %select_n3A_30 = arith.select %and3A_28, %add3A_29, %rem3A_21 : i32
    %c0_i32 = arith.constant 0 : i32
    %c0_i32_31 = arith.constant 0 : i32
    return %add3A_16, %c0_i32, %select_n3A_30 : i32, i32, i32
  }
  func.func @transform_4(%arg0: i32) -> (i32, i32, i32) {
    %jit3A = arith.constant 2 : i32
    %div3A = arith.divsi %arg0, %jit3A : i32
    %sign3A = arith.constant 0 : i32
    %sign3A_0 = arith.cmpi sgt, %arg0, %sign3A : i32
    %sign3A_1 = arith.extui %sign3A_0 : i1 to i32
    %sign3A_2 = arith.constant 0 : i32
    %sign3A_3 = arith.cmpi slt, %arg0, %sign3A_2 : i32
    %sign3A_4 = arith.extui %sign3A_3 : i1 to i32
    %sign3A_5 = arith.subi %sign3A_1, %sign3A_4 : i32
    %sign3A_6 = arith.constant 0 : i32
    %sign3A_7 = arith.cmpi sgt, %jit3A, %sign3A_6 : i32
    %sign3A_8 = arith.extui %sign3A_7 : i1 to i32
    %sign3A_9 = arith.constant 0 : i32
    %sign3A_10 = arith.cmpi slt, %jit3A, %sign3A_9 : i32
    %sign3A_11 = arith.extui %sign3A_10 : i1 to i32
    %sign3A_12 = arith.subi %sign3A_8, %sign3A_11 : i32
    %ne3A = arith.cmpi ne, %sign3A_5, %sign3A_12 : i32
    %rem3A = arith.remsi %arg0, %jit3A : i32
    %ne3A_13 = arith.constant 0 : i32
    %ne3A_14 = arith.cmpi ne, %rem3A, %ne3A_13 : i32
    %and3A = arith.andi %ne3A, %ne3A_14 : i1
    %sub3A = arith.constant 1 : i32
    %sub3A_15 = arith.subi %div3A, %sub3A : i32
    %select_n3A = arith.select %and3A, %sub3A_15, %div3A : i32
    %add3A = arith.constant 0 : i32
    %add3A_16 = arith.addi %add3A, %select_n3A : i32
    %jit3A_17 = arith.constant 2 : i32
    %eq3A = arith.constant 0 : i32
    %eq3A_18 = arith.cmpi eq, %jit3A_17, %eq3A : i32
    %jit3A_19 = arith.constant 1 : i32
    %select_n3A_20 = arith.select %eq3A_18, %jit3A_19, %jit3A_17 : i32
    %rem3A_21 = arith.remsi %arg0, %select_n3A_20 : i32
    %ne3A_22 = arith.constant 0 : i32
    %ne3A_23 = arith.cmpi ne, %rem3A_21, %ne3A_22 : i32
    %lt3A = arith.constant 0 : i32
    %lt3A_24 = arith.cmpi slt, %rem3A_21, %lt3A : i32
    %lt3A_25 = arith.constant 0 : i32
    %lt3A_26 = arith.cmpi slt, %select_n3A_20, %lt3A_25 : i32
    %ne3A_27 = arith.xori %lt3A_24, %lt3A_26 : i1
    %and3A_28 = arith.andi %ne3A_27, %ne3A_23 : i1
    %add3A_29 = arith.addi %rem3A_21, %select_n3A_20 : i32
    %select_n3A_30 = arith.select %and3A_28, %add3A_29, %rem3A_21 : i32
    %c0_i32 = arith.constant 0 : i32
    %c0_i32_31 = arith.constant 0 : i32
    return %add3A_16, %c0_i32, %select_n3A_30 : i32, i32, i32
  }
}

module attributes {stable_mosaic.version = 14 : i64} {
  func.func @_split_rest_body(%arg0: i32, %arg1: memref<1x2048x128xf32, #tpu.memory_space<vmem>>, %arg2: memref<16x64x4096xf32, #tpu.memory_space<any>>, %arg3: memref<16x64x4096xf32, #tpu.memory_space<any>>, %arg4: memref<1x64x2048xf32, #tpu.memory_space<vmem>>, %arg5: memref<1x64x2048xf32, #tpu.memory_space<vmem>>) attributes {dimension_semantics = [#tpu.dimension_semantics<arbitrary>], iteration_bounds = array<i64: 8>, scalar_prefetch = 0 : i64, scratch_operands = 0 : i64, tpu.core_type = #tpu.core_type<tc>, window_params = [{transform_indices = @transform_0, window_bounds = array<i64: 1, 2048, 128>}, {}, {}, {transform_indices = @transform_3, window_bounds = array<i64: 1, 64, 2048>}, {transform_indices = @transform_4, window_bounds = array<i64: 1, 64, 2048>}]} {
    %get3A = arith.constant 0 : index
    %get3A_0 = arith.constant 0 : index
    %get3A_1 = arith.constant 0 : index
    %get3A_2 = vector.load %arg1[%get3A, %get3A_0, %get3A_1] : memref<1x2048x128xf32, #tpu.memory_space<vmem>>, vector<1x2048x128xf32>
    %get3A_3 = vector.shape_cast %get3A_2 : vector<1x2048x128xf32> to vector<2048x128xf32>
    %slice3A = vector.extract_strided_slice %get3A_3 {offsets = [0, 0], sizes = [2048, 64], strides = [1, 1]} : vector<2048x128xf32> to vector<2048x64xf32>
    %transpose3A = tpu.transpose %slice3A, [1, 0] : vector<2048x64xf32> -> vector<64x2048xf32>
    %swap3A = arith.constant 0 : index
    %swap3A_4 = arith.constant 0 : index
    %swap3A_5 = arith.constant 0 : index
    %swap3A_6 = vector.load %arg4[%swap3A, %swap3A_4, %swap3A_5] : memref<1x64x2048xf32, #tpu.memory_space<vmem>>, vector<1x64x2048xf32>
    %swap3A_7 = vector.shape_cast %swap3A_6 : vector<1x64x2048xf32> to vector<64x2048xf32>
    %swap3A_8 = vector.shape_cast %transpose3A : vector<64x2048xf32> to vector<1x64x2048xf32>
    tpu.vector_store %arg4[%swap3A, %swap3A_4, %swap3A_5], %swap3A_8 {strides = array<i32>} : memref<1x64x2048xf32, #tpu.memory_space<vmem>>, vector<1x64x2048xf32>,
    %slice3A_9 = vector.extract_strided_slice %get3A_3 {offsets = [0, 64], sizes = [2048, 64], strides = [1, 1]} : vector<2048x128xf32> to vector<2048x64xf32>
    %transpose3A_10 = tpu.transpose %slice3A_9, [1, 0] : vector<2048x64xf32> -> vector<64x2048xf32>
    %swap3A_11 = arith.constant 0 : index
    %swap3A_12 = arith.constant 0 : index
    %swap3A_13 = arith.constant 0 : index
    %swap3A_14 = vector.load %arg5[%swap3A_11, %swap3A_12, %swap3A_13] : memref<1x64x2048xf32, #tpu.memory_space<vmem>>, vector<1x64x2048xf32>
    %swap3A_15 = vector.shape_cast %swap3A_14 : vector<1x64x2048xf32> to vector<64x2048xf32>
    %swap3A_16 = vector.shape_cast %transpose3A_10 : vector<64x2048xf32> to vector<1x64x2048xf32>
    tpu.vector_store %arg5[%swap3A_11, %swap3A_12, %swap3A_13], %swap3A_16 {strides = array<i32>} : memref<1x64x2048xf32, #tpu.memory_space<vmem>>, vector<1x64x2048xf32>,
    return
  }
  func.func @transform_0(%arg0: i32) -> (i32, i32, i32) {
    %jit3A = arith.constant 2 : i32
    %div3A = arith.divsi %arg0, %jit3A : i32
    %sign3A = arith.constant 0 : i32
    %sign3A_0 = arith.cmpi sgt, %arg0, %sign3A : i32
    %sign3A_1 = arith.extui %sign3A_0 : i1 to i32
    %sign3A_2 = arith.constant 0 : i32
    %sign3A_3 = arith.cmpi slt, %arg0, %sign3A_2 : i32
    %sign3A_4 = arith.extui %sign3A_3 : i1 to i32
    %sign3A_5 = arith.subi %sign3A_1, %sign3A_4 : i32
    %sign3A_6 = arith.constant 0 : i32
    %sign3A_7 = arith.cmpi sgt, %jit3A, %sign3A_6 : i32
    %sign3A_8 = arith.extui %sign3A_7 : i1 to i32
    %sign3A_9 = arith.constant 0 : i32
    %sign3A_10 = arith.cmpi slt, %jit3A, %sign3A_9 : i32
    %sign3A_11 = arith.extui %sign3A_10 : i1 to i32
    %sign3A_12 = arith.subi %sign3A_8, %sign3A_11 : i32
    %ne3A = arith.cmpi ne, %sign3A_5, %sign3A_12 : i32
    %rem3A = arith.remsi %arg0, %jit3A : i32
    %ne3A_13 = arith.constant 0 : i32
    %ne3A_14 = arith.cmpi ne, %rem3A, %ne3A_13 : i32
    %and3A = arith.andi %ne3A, %ne3A_14 : i1
    %sub3A = arith.constant 1 : i32
    %sub3A_15 = arith.subi %div3A, %sub3A : i32
    %select_n3A = arith.select %and3A, %sub3A_15, %div3A : i32
    %jit3A_16 = arith.constant 2 : i32
    %eq3A = arith.constant 0 : i32
    %eq3A_17 = arith.cmpi eq, %jit3A_16, %eq3A : i32
    %jit3A_18 = arith.constant 1 : i32
    %select_n3A_19 = arith.select %eq3A_17, %jit3A_18, %jit3A_16 : i32
    %rem3A_20 = arith.remsi %arg0, %select_n3A_19 : i32
    %ne3A_21 = arith.constant 0 : i32
    %ne3A_22 = arith.cmpi ne, %rem3A_20, %ne3A_21 : i32
    %lt3A = arith.constant 0 : i32
    %lt3A_23 = arith.cmpi slt, %rem3A_20, %lt3A : i32
    %lt3A_24 = arith.constant 0 : i32
    %lt3A_25 = arith.cmpi slt, %select_n3A_19, %lt3A_24 : i32
    %ne3A_26 = arith.xori %lt3A_23, %lt3A_25 : i1
    %and3A_27 = arith.andi %ne3A_26, %ne3A_22 : i1
    %add3A = arith.addi %rem3A_20, %select_n3A_19 : i32
    %select_n3A_28 = arith.select %and3A_27, %add3A, %rem3A_20 : i32
    %c0_i32 = arith.constant 0 : i32
    %c0_i32_29 = arith.constant 0 : i32
    return %select_n3A, %select_n3A_28, %c0_i32 : i32, i32, i32
  }
  func.func @transform_3(%arg0: i32) -> (i32, i32, i32) {
    %jit3A = arith.constant 2 : i32
    %div3A = arith.divsi %arg0, %jit3A : i32
    %sign3A = arith.constant 0 : i32
    %sign3A_0 = arith.cmpi sgt, %arg0, %sign3A : i32
    %sign3A_1 = arith.extui %sign3A_0 : i1 to i32
    %sign3A_2 = arith.constant 0 : i32
    %sign3A_3 = arith.cmpi slt, %arg0, %sign3A_2 : i32
    %sign3A_4 = arith.extui %sign3A_3 : i1 to i32
    %sign3A_5 = arith.subi %sign3A_1, %sign3A_4 : i32
    %sign3A_6 = arith.constant 0 : i32
    %sign3A_7 = arith.cmpi sgt, %jit3A, %sign3A_6 : i32
    %sign3A_8 = arith.extui %sign3A_7 : i1 to i32
    %sign3A_9 = arith.constant 0 : i32
    %sign3A_10 = arith.cmpi slt, %jit3A, %sign3A_9 : i32
    %sign3A_11 = arith.extui %sign3A_10 : i1 to i32
    %sign3A_12 = arith.subi %sign3A_8, %sign3A_11 : i32
    %ne3A = arith.cmpi ne, %sign3A_5, %sign3A_12 : i32
    %rem3A = arith.remsi %arg0, %jit3A : i32
    %ne3A_13 = arith.constant 0 : i32
    %ne3A_14 = arith.cmpi ne, %rem3A, %ne3A_13 : i32
    %and3A = arith.andi %ne3A, %ne3A_14 : i1
    %sub3A = arith.constant 1 : i32
    %sub3A_15 = arith.subi %div3A, %sub3A : i32
    %select_n3A = arith.select %and3A, %sub3A_15, %div3A : i32
    %add3A = arith.constant 4 : i32
    %add3A_16 = arith.addi %add3A, %select_n3A : i32
    %jit3A_17 = arith.constant 2 : i32
    %eq3A = arith.constant 0 : i32
    %eq3A_18 = arith.cmpi eq, %jit3A_17, %eq3A : i32
    %jit3A_19 = arith.constant 1 : i32
    %select_n3A_20 = arith.select %eq3A_18, %jit3A_19, %jit3A_17 : i32
    %rem3A_21 = arith.remsi %arg0, %select_n3A_20 : i32
    %ne3A_22 = arith.constant 0 : i32
    %ne3A_23 = arith.cmpi ne, %rem3A_21, %ne3A_22 : i32
    %lt3A = arith.constant 0 : i32
    %lt3A_24 = arith.cmpi slt, %rem3A_21, %lt3A : i32
    %lt3A_25 = arith.constant 0 : i32
    %lt3A_26 = arith.cmpi slt, %select_n3A_20, %lt3A_25 : i32
    %ne3A_27 = arith.xori %lt3A_24, %lt3A_26 : i1
    %and3A_28 = arith.andi %ne3A_27, %ne3A_23 : i1
    %add3A_29 = arith.addi %rem3A_21, %select_n3A_20 : i32
    %select_n3A_30 = arith.select %and3A_28, %add3A_29, %rem3A_21 : i32
    %c0_i32 = arith.constant 0 : i32
    %c0_i32_31 = arith.constant 0 : i32
    return %add3A_16, %c0_i32, %select_n3A_30 : i32, i32, i32
  }
  func.func @transform_4(%arg0: i32) -> (i32, i32, i32) {
    %jit3A = arith.constant 2 : i32
    %div3A = arith.divsi %arg0, %jit3A : i32
    %sign3A = arith.constant 0 : i32
    %sign3A_0 = arith.cmpi sgt, %arg0, %sign3A : i32
    %sign3A_1 = arith.extui %sign3A_0 : i1 to i32
    %sign3A_2 = arith.constant 0 : i32
    %sign3A_3 = arith.cmpi slt, %arg0, %sign3A_2 : i32
    %sign3A_4 = arith.extui %sign3A_3 : i1 to i32
    %sign3A_5 = arith.subi %sign3A_1, %sign3A_4 : i32
    %sign3A_6 = arith.constant 0 : i32
    %sign3A_7 = arith.cmpi sgt, %jit3A, %sign3A_6 : i32
    %sign3A_8 = arith.extui %sign3A_7 : i1 to i32
    %sign3A_9 = arith.constant 0 : i32
    %sign3A_10 = arith.cmpi slt, %jit3A, %sign3A_9 : i32
    %sign3A_11 = arith.extui %sign3A_10 : i1 to i32
    %sign3A_12 = arith.subi %sign3A_8, %sign3A_11 : i32
    %ne3A = arith.cmpi ne, %sign3A_5, %sign3A_12 : i32
    %rem3A = arith.remsi %arg0, %jit3A : i32
    %ne3A_13 = arith.constant 0 : i32
    %ne3A_14 = arith.cmpi ne, %rem3A, %ne3A_13 : i32
    %and3A = arith.andi %ne3A, %ne3A_14 : i1
    %sub3A = arith.constant 1 : i32
    %sub3A_15 = arith.subi %div3A, %sub3A : i32
    %select_n3A = arith.select %and3A, %sub3A_15, %div3A : i32
    %add3A = arith.constant 4 : i32
    %add3A_16 = arith.addi %add3A, %select_n3A : i32
    %jit3A_17 = arith.constant 2 : i32
    %eq3A = arith.constant 0 : i32
    %eq3A_18 = arith.cmpi eq, %jit3A_17, %eq3A : i32
    %jit3A_19 = arith.constant 1 : i32
    %select_n3A_20 = arith.select %eq3A_18, %jit3A_19, %jit3A_17 : i32
    %rem3A_21 = arith.remsi %arg0, %select_n3A_20 : i32
    %ne3A_22 = arith.constant 0 : i32
    %ne3A_23 = arith.cmpi ne, %rem3A_21, %ne3A_22 : i32
    %lt3A = arith.constant 0 : i32
    %lt3A_24 = arith.cmpi slt, %rem3A_21, %lt3A : i32
    %lt3A_25 = arith.constant 0 : i32
    %lt3A_26 = arith.cmpi slt, %select_n3A_20, %lt3A_25 : i32
    %ne3A_27 = arith.xori %lt3A_24, %lt3A_26 : i1
    %and3A_28 = arith.andi %ne3A_27, %ne3A_23 : i1
    %add3A_29 = arith.addi %rem3A_21, %select_n3A_20 : i32
    %select_n3A_30 = arith.select %and3A_28, %add3A_29, %rem3A_21 : i32
    %c0_i32 = arith.constant 0 : i32
    %c0_i32_31 = arith.constant 0 : i32
    return %add3A_16, %c0_i32, %select_n3A_30 : i32, i32, i32
  }
}

</mosaic_0001>

<sc_bundles>
// kernel: kernel.11.cloned.1.call-start
scs
__scs_entry_jumppad:
0x0: {  	(pc) =	sbr.rel $0x88, $3  }
0x1: {  	(tag) =	ssettag $0x0;
	lr =	simm.s32 $0x1  }
0x2: {  	[smem:$0x3F9F] =	sst lr;
	_ =	strace $0xD0000000  }
0x3: {  	_ = 	snop  }
0x4: {  	_ = 	snop  }
0x5: {  	_ = 	snop  }
0x6: {  	_ = 	snop  }
0x7: {  	_ = 	snop  }
__scs_overlays_trampoline_lowered:
0x8: {  	[smem:$0x3FAE] =	sst s0  }
0x9: {  	[smem:$0x3FAF] =	sst s1  }
0xa: {  	[smem:$0x3FB0] =	sst s2  }
0xb: {  	[smem:$0x3FB1] =	sst s3  }
0xc: {  	[smem:$0x3FB2] =	sst s4  }
0xd: {  	[smem:$0x3FB3] =	sst s5  }
0xe: {  	[smem:$0x3FB4] =	sst s6  }
0xf: {  	[smem:$0x3FB5] =	sst s7  }
0x10: {  	[smem:$0x3FB6] =	sst s8  }
0x11: {  	[smem:$0x3FB7] =	sst s9;
	s0 =	simm.s32 @!p0 $0x0  }
0x12: {  	s1 =	sld [smem:$0x3F9D];
	s0 =	simm.s32 @p0 $0x1  }
0x13: {  	[smem:$0x3FB8] =	sst s0;
	s0 =	simm.s32 @!p1 $0x0  }
0x14: {  	s2 =	sld [smem:$0x3F9C];
	s0 =	simm.s32 @p1 $0x1  }
0x15: {  	[smem:$0x3FB9] =	sst s0;
	s0 =	simm.s32 @!p2 $0x0  }
0x16: {  	s3 =	sld [smem:$0x3FDB];
	s0 =	simm.s32 @p2 $0x1  }
0x17: {  	s4 =	simm.s32 $0x1BF5;
	[smem:$0x3FBB] =	sst s0  }
0x18: {  	s0 =	sld [smem:$0x3F9E];
	_ =	swait.ge [sflag:s4], $0x0  }
0x19: {  	s7 =	sld [smem:$0x3F9F]  }
0x1a: {  	s8 =	sadd.s32 $0xFFFFE003, lr  }
0x1b: {  	s9 =	sadd.s32 $0xFFFFFEF7, lr;
	s5 =	simm.s32 $0xFFFFFFFF;
	p2 =	slt.u32 s8, $0xFFFFF086  }
0x1c: {  	p1 =	slt.u32 s9, $0xF7A;
	s5 =	simm.s32 @!p2 $0x0  }
0x1d: {  	s5 =	simm.s32 @p1 $0x1;
	p0 =	seq.s32 s7, s2  }
0x1e: {  	s7 =	smul.u32 @!p0 $0xF7A, s2;
	p2 =	seq.s32 @!p0 s5, $0x0  }
0x1f: {  	s9 =	smul.u32 $0xF7A, s1;
	s8 =	simm.s32 @!p0 $0x1BF5;
	p2 =	por !p2, p0  }
0x20: {  	[sflag:s8] =	ssyncset.s32 @!p0 $0xFFFFF086;
	s6 =	sadd.s32 @!p0 s3, s7;
	s7 =	simm.s32 @!p0 $0x108  }
0x21: {  	s3 =	sadd.s32 s3, s9;
	s6 =	sadd.s32 @!p0 $0x88, s6;
	s7 =	simm.s32 @p2 $0x1082  }
0x22: {  	[simem:s7], [sflag:s8] =	dma.local @!p0 [hbm:s6], $0xF7A  }
0x23: {  	s9 =	sor.u32 $0xD0000000, s2;
	s6 =	simm.s32 $0x108;
	_ =	swait.ge @!p0 [sflag:s8], $0x0  }
0x24: {  	s3 =	sadd.s32 $0x88, s3;
	s6 =	simm.s32 @!p1 $0x1082;
	[sflag:s4] =	ssyncset.s32 $0xFFFFF086  }
0x25: {  	[simem:s6], [sflag:s4] =	dma.local [hbm:s3], $0xF7A  }
0x26: {  	[smem:$0x3F9F] =	sst s1;
	(tag) =	ssettag s2;
	_ =	strace s9  }
0x27: {  	s1 =	sld [smem:$0x3FAF]  }
0x28: {  	s2 =	sld [smem:$0x3FB0]  }
0x29: {  	s4 =	sld [smem:$0x3FB2]  }
0x2a: {  	p0 =	seq.s32 s5, $0x0;
	s5 =	sld [smem:$0x3FB3]  }
0x2b: {  	s6 =	sld [smem:$0x3FB4]  }
0x2c: {  	s7 =	sld [smem:$0x3FB5]  }
0x2d: {  	s3 =	simm.s32 $0x108;
	s8 =	sld [smem:$0x3FB6]  }
0x2e: {  	s3 =	simm.s32 @!p0 $0x1082;
	s9 =	sld [smem:$0x3FB7]  }
0x2f: {  	lr =	sadd.s32 s0, s3;
	s0 =	sld [smem:$0x3FAE]  }
0x30: {  	s3 =	sld [smem:$0x3FB1]  }
0x31: {  	[smem:$0x3FBA] =	sst s10  }
0x32: {  	s10 =	sld [smem:$0x3FB8];
	_ =	sdelay $0x3  }
0x33: {  	p0 =	seq.s32 s10, $0x1;
	s10 =	sld [smem:$0x3FBA];
	_ =	sdelay $0x3  }
0x34: {  	[smem:$0x3FBA] =	sst s10  }
0x35: {  	s10 =	sld [smem:$0x3FB9];
	_ =	sdelay $0x3  }
0x36: {  	p1 =	seq.s32 s10, $0x1;
	s10 =	sld [smem:$0x3FBA];
	_ =	sdelay $0x3  }
0x37: {  	[smem:$0x3FBA] =	sst s10  }
0x38: {  	s10 =	sld [smem:$0x3FBB]  }
0x39: {  	_ = 	snop;
	(pc) =	sbr.ind lr, $3  }
0x3a: {  	_ = 	snop  }
0x3b: {  	_ = 	snop  }
0x3c: {  	p2 =	seq.s32 s10, $0x1;
	s10 =	sld [smem:$0x3FBA]  }
0x3d: {  	_ =	shalt  }
0x3e: {  	_ =	shalt  }
0x3f: {  	_ =	shalt  }
0x40: {  	_ =	shalt  }
0x41: {  	_ =	shalt  }
0x42: {  	_ =	shalt  }
0x43: {  	_ =	shalt  }
0x44: {  	_ =	shalt  }
0x45: {  	_ =	shalt  }
0x46: {  	_ =	shalt  }
0x47: {  	_ =	shalt  }
0x48: {  	_ =	shalt  }
0x49: {  	_ =	shalt  }
0x4a: {  	_ =	shalt  }
0x4b: {  	_ =	shalt  }
0x4c: {  	_ =	shalt  }
0x4d: {  	_ =	shalt  }
0x4e: {  	_ =	shalt  }
0x4f: {  	_ =	shalt  }
0x50: {  	_ =	shalt  }
0x51: {  	_ =	shalt  }
0x52: {  	_ =	shalt  }
0x53: {  	_ =	shalt  }
0x54: {  	_ =	shalt  }
0x55: {  	_ =	shalt  }
0x56: {  	_ =	shalt  }
0x57: {  	_ =	shalt  }
0x58: {  	_ =	shalt  }
0x59: {  	_ =	shalt  }
0x5a: {  	_ =	shalt  }
0x5b: {  	_ =	shalt  }
0x5c: {  	_ =	shalt  }
0x5d: {  	_ =	shalt  }
0x5e: {  	_ =	shalt  }
0x5f: {  	_ =	shalt  }
0x60: {  	_ =	shalt  }
0x61: {  	_ =	shalt  }
0x62: {  	_ =	shalt  }
0x63: {  	_ =	shalt  }
0x64: {  	_ =	shalt  }
0x65: {  	_ =	shalt  }
0x66: {  	_ =	shalt  }
0x67: {  	_ =	shalt  }
0x68: {  	_ =	shalt  }
0x69: {  	_ =	shalt  }
0x6a: {  	_ =	shalt  }
0x6b: {  	_ =	shalt  }
0x6c: {  	_ =	shalt  }
0x6d: {  	_ =	shalt  }
0x6e: {  	_ =	shalt  }
0x6f: {  	_ =	shalt  }
0x70: {  	_ =	shalt  }
0x71: {  	_ =	shalt  }
0x72: {  	_ =	shalt  }
0x73: {  	_ =	shalt  }
0x74: {  	_ =	shalt  }
0x75: {  	_ =	shalt  }
0x76: {  	_ =	shalt  }
0x77: {  	_ =	shalt  }
0x78: {  	_ =	shalt  }
0x79: {  	_ =	shalt  }
0x7a: {  	_ =	shalt  }
0x7b: {  	_ =	shalt  }
0x7c: {  	_ =	shalt  }
0x7d: {  	_ =	shalt  }
0x7e: {  	_ =	shalt  }
0x7f: {  	_ =	shalt  }
0x80: {  	_ =	shalt  }
0x81: {  	_ =	shalt  }
0x82: {  	_ =	shalt  }
0x83: {  	_ =	shalt  }
0x84: {  	_ =	shalt  }
0x85: {  	_ =	shalt  }
0x86: {  	_ =	shalt  }
0x87: {  	_ =	shalt  }
.Lfunc_end0:
.L_simem_size_0:
called_computation.1_lowered:
.L_overlay_start_0:
0x88: {  	s2 =	sld [smem:$0x3FD9]  }
0x89: {  	s3 =	sld [smem:$0x3FFE];
	_ =	sdelay $0x1  }
0x8a: {  	s1 =	srdreg.scid  }
0x8b: {  	s0 =	sand.u32 $0x1, s1  }
0x8c: {  	s17 =	sshll.u32 s0, $0xA;
	s2 =	sadd.s32 s3, s2  }
0x8d: {  	s2 =	sadd.s32 s2, s17  }
0x8e: {  	[smem:$0x3FC6] =	sst s2  }
0x8f: {  	_ = 	snop  }
0x90: {  	(tm) =	ssettm $0x1  }
0x91: {  	s18 =	sld [smem:$0x3FFB];
	_ =	sdelay $0x3  }
0x92: {  	_ =	strace s18  }
0x93: {  	s2 =	sld [smem:$0x3FFC];
	_ =	sdelay $0x3  }
0x94: {  	_ =	strace s2  }
0x95: {  	s2 =	sld [smem:$0x3FFD];
	_ =	sdelay $0x3  }
0x96: {  	_ =	strace s2  }
0x97: {  	_ =	strace $0x8FFFFFFF  }
0x98: {  	s19 =	sld [smem:$0x3FDB];
	_ =	sdelay $0x1  }
0x99: {  	s20 =	simm.s32 $_scs_section_size  }
0x9a: {  	s4 =	simm.s32 $_size__tile_overlayer_lowered;
	s5 =	simm.s32 $_tile_overlayer_lowered  }
0x9b: {  	s6 =	simm.s32 $0x1BFF;
	s21 =	sshll.u32 s5, $0x1;
	s3 =	sadd.s32 s20, s19  }
0x9c: {  	s22 =	simm.s32 $0x0;
	s4 =	sshll.u32 s4, $0x1;
	s5 =	sadd.s32 s21, s3  }
0x9d: {  	[timem:s22], [sflag:s6] =	dma.local [hbm:s5], s4  }
0x9e: {  	_ =	swait.ge [sflag:s6], s4  }
0x9f: {  	s4 =	ssub.s32 $0x0, s4;
	[sflag:s6] =	ssyncset.done $0x0  }
0xa0: {  	[sflag:s6] =	ssyncadd.s32 s4;
	_ =	sdelay $0x1  }
0xa1: {  	s23 =	simm.s32 $0x1B8B  }
0xa2: {  	_ =	swait.ge [sflag:s23], $0x1  }
0xa3: {  	[sflag:s23] =	ssyncset.done $0x0  }
0xa4: {  	[sflag:s23] =	ssyncadd.s32 $0xFFFFFFFF  }
0xa5: {  	s4 =	sld [smem:$0x0]  }
0xa6: {  	s5 =	sand.u32 $0xFFFFFFFE, s1  }
0xa7: {  	p0 =	sne.s32 s1, s5  }
0xa8: {  	s5 =	sshll.u32 @p0 s5, $0xE  }
0xa9: {  	s5 =	sadd.s32 @p0 $0x11B8D, s5;
	s6 =	sshll.u32 @p0 s4, $0x11  }
0xaa: {  	s5 =	sor.u32 @p0 s6, s5  }
0xab: {  	[sflag:s5] =	ssyncadd.remote.s32 @p0 $0x1;
	_ =	sdelay $0x1  }
0xac: {  	s5 =	simm.s32 @p0 $0x1B8D  }
0xad: {  	_ =	swait.eq @p0 [sflag:s5], $0x1  }
0xae: {  	[sflag:s5] =	ssyncadd.s32 @p0 $0xFFFFFFFF  }
0xaf: {  	s6 =	sshll.u32 @!p0 s1, $0xE  }
0xb0: {  	s6 =	sor.u32 @!p0 $0x4000, s6;
	s5 =	simm.s32 @!p0 $0x1B8D  }
0xb1: {  	s4 =	sshll.u32 @!p0 s4, $0x11;
	s6 =	sadd.s32 @!p0 $0x11B8D, s6;
	_ =	swait.eq @!p0 [sflag:s5], $0x1  }
0xb2: {  	s4 =	sor.u32 @!p0 s4, s6;
	[sflag:s5] =	ssyncadd.s32 @!p0 $0xFFFFFFFF  }
0xb3: {  	s25 =	simm.s32 $0x1B8E;
	s24 =	sld [smem:$0x3FFE];
	[sflag:s4] =	ssyncadd.remote.s32 @!p0 $0x1  }
0xb4: {  	s26 =	simm.s32 $execute0_lowered;
	[smem:$0x3FD2] =	sst s25  }
0xb5: {  	s5 =	sshll.u32 s26, $0x1;
	_ =	strace $0x80000049;
	[dreg:$0x1] =	wrdreg $0xFFFFFFFF  }
0xb6: {  	s28 =	simm.s32 $_size_execute0_lowered;
	s3 =	sadd.s32 s3, s5;
	[dreg:$0x0] =	wrdreg $0x0  }
0xb7: {  	s5 =	sshll.u32 s28, $0x1;
	[dreg:$0x2] =	wrdreg s3  }
0xb8: {  	[dreg:$0x3] =	wrdreg s5  }
0xb9: {  	[dreg:$0x4] =	wrdreg $0xC0  }
0xba: {  	_ =	task [dreg:s22], $0x5FFFF  }
0xbb: {  	[dreg:$0x1] =	wrdreg $0xFFFFFFFF  }
0xbc: {  	[dreg:$0x0] =	wrdreg $0x60  }
0xbd: {  	[dreg:$0x2] =	wrdreg s24  }
0xbe: {  	[dreg:$0x3] =	wrdreg $0xA  }
0xbf: {  	_ =	task.clear_ibuf [dreg:s22], $0x4FFFF;
	_ =	strace $0x90000049  }
0xc0: {  	s29 =	simm.s32 $0xA;
	_ =	strace $0x8000004B  }
0xc1: {  	_ =	swait.ge [sflag:s29], $0x1  }
0xc2: {  	[sflag:s29] =	ssyncadd.s32 $0xFFFFFFFF  }
0xc3: {  	_ =	strace $0x9000004B  }
0xc4: {  	_ =	sfence  }
0xc5: {  	s30 =	sld [smem:$0x0];
	_ =	sdelay $0x2  }
0xc6: {  	s31 =	sshll.u32 s1, $0xD;
	s1 =	sshrl.u32 s1, $0x2  }
0xc7: {  	s4 =	sand.u32 $0x4000, s31;
	s1 =	sadd.s32 s1, s30  }
0xc8: {  	s0 =	sor.u32 s4, s0;
	s1 =	sshll.u32 s1, $0x11  }
0xc9: {  	s0 =	sor.u32 s1, s0  }
0xca: {  	s0 =	sadd.s32 $0x8F2B, s0  }
0xcb: {  	[sflag:s0] =	ssyncadd.remote.s32 $0x1  }
0xcc: {  	_ =	sfence.sel $0xFFFF  }
0xcd: {  	[dreg:$0x0] =	wrdreg $0xFFFFFFFF;
	(pc) =	sbr.abs _section_cstart, $3  }
0xce: {  	[dreg:$0x1] =	wrdreg $0xFFFFFFFF  }
0xcf: {  	_ =	task.clear_ibuf [dreg:s22], $0x2FFFF;
	_ =	strace $0x9FFFFFFF  }
0xd0: {  	(tm) =	ssettm $0x7FFFFFFF  }
0xd1: {  	_ =	shalt  }
tec
execute0_lowered:
.L_overlay_start_1:
0x0: {  	(tag) =	ssettag $0x1  }
0x1: {  	s1 =	srdreg.scid;
	s0 =	stileid.u32  }
0x2: {  	s17 =	sand.u32 $0x1, s1;
	s31 =	sshll.u32 s0, $0x1  }
0x3: {  	s11 =	sor.u32 s17, s31  }
0x4: {  	s10 =	rddreg [dreg:$0x0];
	s2 =	simm.s32 $0x0;
	s3 =	sshll.u32 s11, $0x6  }
0x5: {  	s4 =	simm.s32 $0x5;
	[smem:$0x7FF] =	sst s2;
	s12 =	sadd.s32 s3, s10  }
0x6: {  	s1 =	rddreg [dreg:$0x1];
	_ =	strace $0x8000004A;
	s3 =	sadd.s32 $0x6200, s12  }
0x7: {  	[tilespmem:s2], [sflag:$0x5] =	stream.linear.gather [hbm4b:s3+s2], $0x100, $0x38;
	[tilespmem:$0x10200] =	vst v63  }
0x8: {  	_ =	swait.ge [sflag:s4], $0x100  }
0x9: {  	s6 =	simm.s32 $0x80;
	[sflag:s4] =	ssyncset.done $0x0  }
0xa: {  	s7 =	simm.s32 $0x200;
	s5 =	sadd.s32 $0x1A00, s10;
	[sflag:s4] =	ssyncadd.s32 $0xFFFFFF00  }
0xb: {  	[tilespmem:s7], [sflag:$0x1] =	stream.indirect.gather [hbm4b:s5+s6], $0x80, s2, s6, $0xb8;
	[tilespmem:$0x10200] =	vst v63  }
0xc: {  	s8 =	simm.s32 $0x4200;
	s9 =	simm.s32 $0x1  }
0xd: {  	[tilespmem:s8], [sflag:$0x1] =	stream.indirect.gather [hbm4b:s5+s6], $0x80, s6, s6, $0xb8;
	[tilespmem:$0x10200] =	vst v63  }
0xe: {  	_ =	swait.ge [sflag:s9], $0x4000  }
0xf: {  	[sflag:s9] =	ssyncset.done $0x0  }
0x10: {  	[sflag:s9] =	ssyncadd.s32 $0xFFFFC000  }
0x11: {  	s11 =	sshll.u32 s11, $0xD;
	_ =	swait.ge [sflag:s9], $0x4000  }
0x12: {  	s18 =	sadd.s32 s11, s10;
	[sflag:s9] =	ssyncset.done $0x0  }
0x13: {  	s10 =	sadd.s32 $0x47A00, s18;
	[sflag:s9] =	ssyncadd.s32 $0xFFFFC000  }
0x14: {  	[hbm4b:s10+s2] =	stream.linear.scatter [tilespmem:s7], [sflag:$0x3], $0x8000, $0x38;
	[tilespmem:$0x10200] =	vst v63  }
0x15: {  	s11 =	sadd.s32 $0x6220, s12;
	s12 =	simm.s32 $0x100  }
0x16: {  	[tilespmem:s12], [sflag:$0x5] =	stream.linear.gather [hbm4b:s11+s2], $0x100, $0x38;
	[tilespmem:$0x10200] =	vst v63  }
0x17: {  	_ =	swait.ge [sflag:s4], $0x100  }
0x18: {  	[sflag:s4] =	ssyncset.done $0x0  }
0x19: {  	s13 =	simm.s32 $0x8200;
	[sflag:s4] =	ssyncadd.s32 $0xFFFFFF00  }
0x1a: {  	[tilespmem:s13], [sflag:$0x2] =	stream.indirect.gather [hbm4b:s5+s6], $0x80, s12, s6, $0xb8;
	[tilespmem:$0x10200] =	vst v63  }
0x1b: {  	s14 =	simm.s32 $0x180;
	s15 =	simm.s32 $0xC200;
	s16 =	simm.s32 $0x2  }
0x1c: {  	[tilespmem:s15], [sflag:$0x2] =	stream.indirect.gather [hbm4b:s5+s6], $0x80, s14, s6, $0xb8;
	[tilespmem:$0x10200] =	vst v63  }
0x1d: {  	_ =	swait.ge [sflag:s16], $0x4000  }
0x1e: {  	s19 =	ssub.s32 $0x2, s17;
	[sflag:s16] =	ssyncset.done $0x0  }
0x1f: {  	s20 =	sshrl.u32 s19, $0x1;
	[sflag:s16] =	ssyncadd.s32 $0xFFFFC000  }
0x20: {  	s19 =	ssub.s32 s19, s20;
	_ =	swait.ge [sflag:s16], $0x4000  }
0x21: {  	s17 =	sadd.s32 $0x48A00, s18;
	s20 =	smax.u32 s19, $0x1;
	[sflag:s16] =	ssyncset.done $0x0  }
0x22: {  	s18 =	simm.s32 $0x3;
	p0 =	sne.s32 s20, $0x1;
	[sflag:s16] =	ssyncadd.s32 $0xFFFFC000  }
0x23: {  	[hbm4b:s17+s2] =	stream.linear.scatter [tilespmem:s13], [sflag:$0x4], $0x8000, $0x38;
	[tilespmem:$0x10200] =	vst v63  }
.Ltmp0:
0x24: {  	_ =	swait.ge [sflag:s18], $0x8000;
	(pc) =	sbr.rel @!p0 .LBB2_2-.Ltmp0, $4  }
0x25: {  	[sflag:s18] =	ssyncset.done $0x0  }
0x26: {  	s19 =	simm.s32 $0x4;
	[sflag:s18] =	ssyncadd.s32 $0xFFFF8000  }
0x27: {  	_ =	swait.ge [sflag:s19], $0x8000  }
0x28: {  	s20 =	sadd.s32 $0xFFFFFFFF, s20;
	[sflag:s19] =	ssyncset.done $0x0  }
.LBB2_1:
0x29: {  	p0 =	sne.s32 s20, $0x1;
	s20 =	sadd.s32 $0xFFFFFFFF, s20;
	[sflag:s19] =	ssyncadd.s32 $0xFFFF8000  }
0x2a: {  	[tilespmem:s2], [sflag:$0x5] =	stream.linear.gather [hbm4b:s3+s2], $0x100, $0x38;
	[tilespmem:$0x10200] =	vst v63  }
0x2b: {  	_ =	swait.ge [sflag:s4], $0x100  }
0x2c: {  	[sflag:s4] =	ssyncset.done $0x0  }
0x2d: {  	[sflag:s4] =	ssyncadd.s32 $0xFFFFFF00  }
0x2e: {  	[tilespmem:s7], [sflag:$0x1] =	stream.indirect.gather [hbm4b:s5+s6], $0x80, s2, s6, $0xb8;
	[tilespmem:$0x10200] =	vst v63  }
0x2f: {  	_ = 	snop  }
0x30: {  	[tilespmem:s8], [sflag:$0x1] =	stream.indirect.gather [hbm4b:s5+s6], $0x80, s6, s6, $0xb8;
	[tilespmem:$0x10200] =	vst v63  }
0x31: {  	_ =	swait.ge [sflag:s9], $0x4000  }
0x32: {  	[sflag:s9] =	ssyncset.done $0x0  }
0x33: {  	[sflag:s9] =	ssyncadd.s32 $0xFFFFC000  }
0x34: {  	_ =	swait.ge [sflag:s9], $0x4000  }
0x35: {  	[sflag:s9] =	ssyncset.done $0x0  }
0x36: {  	[sflag:s9] =	ssyncadd.s32 $0xFFFFC000  }
0x37: {  	[hbm4b:s10+s2] =	stream.linear.scatter [tilespmem:s7], [sflag:$0x3], $0x8000, $0x38;
	[tilespmem:$0x10200] =	vst v63  }
0x38: {  	_ = 	snop  }
0x39: {  	[tilespmem:s12], [sflag:$0x5] =	stream.linear.gather [hbm4b:s11+s2], $0x100, $0x38;
	[tilespmem:$0x10200] =	vst v63  }
0x3a: {  	_ =	swait.ge [sflag:s4], $0x100  }
0x3b: {  	[sflag:s4] =	ssyncset.done $0x0  }
0x3c: {  	[sflag:s4] =	ssyncadd.s32 $0xFFFFFF00  }
0x3d: {  	[tilespmem:s13], [sflag:$0x2] =	stream.indirect.gather [hbm4b:s5+s6], $0x80, s12, s6, $0xb8;
	[tilespmem:$0x10200] =	vst v63  }
0x3e: {  	_ = 	snop  }
0x3f: {  	[tilespmem:s15], [sflag:$0x2] =	stream.indirect.gather [hbm4b:s5+s6], $0x80, s14, s6, $0xb8;
	[tilespmem:$0x10200] =	vst v63  }
0x40: {  	_ =	swait.ge [sflag:s16], $0x4000  }
0x41: {  	[sflag:s16] =	ssyncset.done $0x0  }
0x42: {  	[sflag:s16] =	ssyncadd.s32 $0xFFFFC000  }
0x43: {  	_ =	swait.ge [sflag:s16], $0x4000  }
0x44: {  	[sflag:s16] =	ssyncset.done $0x0  }
0x45: {  	[sflag:s16] =	ssyncadd.s32 $0xFFFFC000  }
0x46: {  	[hbm4b:s17+s2] =	stream.linear.scatter [tilespmem:s13], [sflag:$0x4], $0x8000, $0x38;
	[tilespmem:$0x10200] =	vst v63  }
.Ltmp1:
0x47: {  	_ =	swait.ge [sflag:s18], $0x8000;
	(pc) =	sbr.rel @p0 .LBB2_1-.Ltmp1, $4  }
0x48: {  	[sflag:s18] =	ssyncset.done $0x0  }
0x49: {  	[sflag:s18] =	ssyncadd.s32 $0xFFFF8000  }
0x4a: {  	_ =	swait.ge [sflag:s19], $0x8000  }
0x4b: {  	[sflag:s19] =	ssyncset.done $0x0  }
.LBB2_2:
0x4c: {  	[sflag:s19] =	ssyncadd.s32 $0xFFFF8000  }
0x4d: {  	_ =	sfence.sel $0x180000  }
0x4e: {  	[bflag:$0x0] =	sbarrier.arrive $0xFFFF  }
0x4f: {  	p0 =	sne.s32 s0, $0x0;
	_ =	strace $0x9000004A  }
0x50: {  	s0 =	sadd.s32 @!p0 $0x100000, s1;
	[bflag:$0x2] =	sbarrier.arrive $0xFFFF  }
0x51: {  	[sflag:s0] =	ssyncadd.tile.s32 @!p0 $0x1;
	_ =	shalt  }
.Lfunc_end2:
_tile_overlayer_lowered:
.L_overlay_start_2:
0x52: {  	(tag) =	ssettag $0x2  }
0x53: {  	s0 =	rddreg [dreg:$0x0];
	s2 =	stileid.u32  }
0x54: {  	s1 =	rddreg [dreg:$0x1];
	p0 =	sne.s32 s2, $0x0  }
0x55: {  	s3 =	rddreg [dreg:$0x2];
	[bflag:$0x3] =	sbarrier.arrive $0xFFFF;
	s2 =	simm.s32 @!p0 $0x1C05  }
0x56: {  	[timem:s3], [sflag:s2] =	dma.local @!p0 [hbm:s0], s1  }
0x57: {  	s0 =	simm.s32 @!p0 $0x5  }
0x58: {  	_ =	swait.ge @!p0 [sflag:s0], s1  }
0x59: {  	s1 =	ssub.s32 @!p0 $0x0, s1;
	[sflag:s0] =	ssyncset.done @!p0 $0x0  }
0x5a: {  	[sflag:s0] =	ssyncadd.s32 @!p0 s1  }
0x5b: {  	[bflag:$0x3] =	sbarrier.arrive $0xFFFF  }
0x5c: {  	_ =	shalt  }

// kernel: kernel.8.cloned.1.call-start
scs
__scs_entry_jumppad:
0x0: {  	(pc) =	sbr.rel $0x88, $3  }
0x1: {  	(tag) =	ssettag $0x0;
	lr =	simm.s32 $0x1  }
0x2: {  	[smem:$0x3F9F] =	sst lr;
	_ =	strace $0xD0000000  }
0x3: {  	_ = 	snop  }
0x4: {  	_ = 	snop  }
0x5: {  	_ = 	snop  }
0x6: {  	_ = 	snop  }
0x7: {  	_ = 	snop  }
__scs_overlays_trampoline_lowered:
0x8: {  	[smem:$0x3FAE] =	sst s0  }
0x9: {  	[smem:$0x3FAF] =	sst s1  }
0xa: {  	[smem:$0x3FB0] =	sst s2  }
0xb: {  	[smem:$0x3FB1] =	sst s3  }
0xc: {  	[smem:$0x3FB2] =	sst s4  }
0xd: {  	[smem:$0x3FB3] =	sst s5  }
0xe: {  	[smem:$0x3FB4] =	sst s6  }
0xf: {  	[smem:$0x3FB5] =	sst s7  }
0x10: {  	[smem:$0x3FB6] =	sst s8  }
0x11: {  	[smem:$0x3FB7] =	sst s9;
	s0 =	simm.s32 @!p0 $0x0  }
0x12: {  	s1 =	sld [smem:$0x3F9D];
	s0 =	simm.s32 @p0 $0x1  }
0x13: {  	[smem:$0x3FB8] =	sst s0;
	s0 =	simm.s32 @!p1 $0x0  }
0x14: {  	s2 =	sld [smem:$0x3F9C];
	s0 =	simm.s32 @p1 $0x1  }
0x15: {  	[smem:$0x3FB9] =	sst s0;
	s0 =	simm.s32 @!p2 $0x0  }
0x16: {  	s3 =	sld [smem:$0x3FDB];
	s0 =	simm.s32 @p2 $0x1  }
0x17: {  	s4 =	simm.s32 $0x1BF5;
	[smem:$0x3FBB] =	sst s0  }
0x18: {  	s0 =	sld [smem:$0x3F9E];
	_ =	swait.ge [sflag:s4], $0x0  }
0x19: {  	s7 =	sld [smem:$0x3F9F]  }
0x1a: {  	s8 =	sadd.s32 $0xFFFFE003, lr  }
0x1b: {  	s9 =	sadd.s32 $0xFFFFFEF7, lr;
	s5 =	simm.s32 $0xFFFFFFFF;
	p2 =	slt.u32 s8, $0xFFFFF086  }
0x1c: {  	p1 =	slt.u32 s9, $0xF7A;
	s5 =	simm.s32 @!p2 $0x0  }
0x1d: {  	s5 =	simm.s32 @p1 $0x1;
	p0 =	seq.s32 s7, s2  }
0x1e: {  	s7 =	smul.u32 @!p0 $0xF7A, s2;
	p2 =	seq.s32 @!p0 s5, $0x0  }
0x1f: {  	s9 =	smul.u32 $0xF7A, s1;
	s8 =	simm.s32 @!p0 $0x1BF5;
	p2 =	por !p2, p0  }
0x20: {  	[sflag:s8] =	ssyncset.s32 @!p0 $0xFFFFF086;
	s6 =	sadd.s32 @!p0 s3, s7;
	s7 =	simm.s32 @!p0 $0x108  }
0x21: {  	s3 =	sadd.s32 s3, s9;
	s6 =	sadd.s32 @!p0 $0x88, s6;
	s7 =	simm.s32 @p2 $0x1082  }
0x22: {  	[simem:s7], [sflag:s8] =	dma.local @!p0 [hbm:s6], $0xF7A  }
0x23: {  	s9 =	sor.u32 $0xD0000000, s2;
	s6 =	simm.s32 $0x108;
	_ =	swait.ge @!p0 [sflag:s8], $0x0  }
0x24: {  	s3 =	sadd.s32 $0x88, s3;
	s6 =	simm.s32 @!p1 $0x1082;
	[sflag:s4] =	ssyncset.s32 $0xFFFFF086  }
0x25: {  	[simem:s6], [sflag:s4] =	dma.local [hbm:s3], $0xF7A  }
0x26: {  	[smem:$0x3F9F] =	sst s1;
	(tag) =	ssettag s2;
	_ =	strace s9  }
0x27: {  	s1 =	sld [smem:$0x3FAF]  }
0x28: {  	s2 =	sld [smem:$0x3FB0]  }
0x29: {  	s4 =	sld [smem:$0x3FB2]  }
0x2a: {  	p0 =	seq.s32 s5, $0x0;
	s5 =	sld [smem:$0x3FB3]  }
0x2b: {  	s6 =	sld [smem:$0x3FB4]  }
0x2c: {  	s7 =	sld [smem:$0x3FB5]  }
0x2d: {  	s3 =	simm.s32 $0x108;
	s8 =	sld [smem:$0x3FB6]  }
0x2e: {  	s3 =	simm.s32 @!p0 $0x1082;
	s9 =	sld [smem:$0x3FB7]  }
0x2f: {  	lr =	sadd.s32 s0, s3;
	s0 =	sld [smem:$0x3FAE]  }
0x30: {  	s3 =	sld [smem:$0x3FB1]  }
0x31: {  	[smem:$0x3FBA] =	sst s10  }
0x32: {  	s10 =	sld [smem:$0x3FB8];
	_ =	sdelay $0x3  }
0x33: {  	p0 =	seq.s32 s10, $0x1;
	s10 =	sld [smem:$0x3FBA];
	_ =	sdelay $0x3  }
0x34: {  	[smem:$0x3FBA] =	sst s10  }
0x35: {  	s10 =	sld [smem:$0x3FB9];
	_ =	sdelay $0x3  }
0x36: {  	p1 =	seq.s32 s10, $0x1;
	s10 =	sld [smem:$0x3FBA];
	_ =	sdelay $0x3  }
0x37: {  	[smem:$0x3FBA] =	sst s10  }
0x38: {  	s10 =	sld [smem:$0x3FBB]  }
0x39: {  	_ = 	snop;
	(pc) =	sbr.ind lr, $3  }
0x3a: {  	_ = 	snop  }
0x3b: {  	_ = 	snop  }
0x3c: {  	p2 =	seq.s32 s10, $0x1;
	s10 =	sld [smem:$0x3FBA]  }
0x3d: {  	_ =	shalt  }
0x3e: {  	_ =	shalt  }
0x3f: {  	_ =	shalt  }
0x40: {  	_ =	shalt  }
0x41: {  	_ =	shalt  }
0x42: {  	_ =	shalt  }
0x43: {  	_ =	shalt  }
0x44: {  	_ =	shalt  }
0x45: {  	_ =	shalt  }
0x46: {  	_ =	shalt  }
0x47: {  	_ =	shalt  }
0x48: {  	_ =	shalt  }
0x49: {  	_ =	shalt  }
0x4a: {  	_ =	shalt  }
0x4b: {  	_ =	shalt  }
0x4c: {  	_ =	shalt  }
0x4d: {  	_ =	shalt  }
0x4e: {  	_ =	shalt  }
0x4f: {  	_ =	shalt  }
0x50: {  	_ =	shalt  }
0x51: {  	_ =	shalt  }
0x52: {  	_ =	shalt  }
0x53: {  	_ =	shalt  }
0x54: {  	_ =	shalt  }
0x55: {  	_ =	shalt  }
0x56: {  	_ =	shalt  }
0x57: {  	_ =	shalt  }
0x58: {  	_ =	shalt  }
0x59: {  	_ =	shalt  }
0x5a: {  	_ =	shalt  }
0x5b: {  	_ =	shalt  }
0x5c: {  	_ =	shalt  }
0x5d: {  	_ =	shalt  }
0x5e: {  	_ =	shalt  }
0x5f: {  	_ =	shalt  }
0x60: {  	_ =	shalt  }
0x61: {  	_ =	shalt  }
0x62: {  	_ =	shalt  }
0x63: {  	_ =	shalt  }
0x64: {  	_ =	shalt  }
0x65: {  	_ =	shalt  }
0x66: {  	_ =	shalt  }
0x67: {  	_ =	shalt  }
0x68: {  	_ =	shalt  }
0x69: {  	_ =	shalt  }
0x6a: {  	_ =	shalt  }
0x6b: {  	_ =	shalt  }
0x6c: {  	_ =	shalt  }
0x6d: {  	_ =	shalt  }
0x6e: {  	_ =	shalt  }
0x6f: {  	_ =	shalt  }
0x70: {  	_ =	shalt  }
0x71: {  	_ =	shalt  }
0x72: {  	_ =	shalt  }
0x73: {  	_ =	shalt  }
0x74: {  	_ =	shalt  }
0x75: {  	_ =	shalt  }
0x76: {  	_ =	shalt  }
0x77: {  	_ =	shalt  }
0x78: {  	_ =	shalt  }
0x79: {  	_ =	shalt  }
0x7a: {  	_ =	shalt  }
0x7b: {  	_ =	shalt  }
0x7c: {  	_ =	shalt  }
0x7d: {  	_ =	shalt  }
0x7e: {  	_ =	shalt  }
0x7f: {  	_ =	shalt  }
0x80: {  	_ =	shalt  }
0x81: {  	_ =	shalt  }
0x82: {  	_ =	shalt  }
0x83: {  	_ =	shalt  }
0x84: {  	_ =	shalt  }
0x85: {  	_ =	shalt  }
0x86: {  	_ =	shalt  }
0x87: {  	_ =	shalt  }
.Lfunc_end0:
.L_simem_size_0:
called_computation_lowered:
.L_overlay_start_0:
0x88: {  	s2 =	sld [smem:$0x3FD9]  }
0x89: {  	s3 =	sld [smem:$0x3FFE];
	_ =	sdelay $0x1  }
0x8a: {  	s1 =	srdreg.scid  }
0x8b: {  	s0 =	sand.u32 $0x1, s1  }
0x8c: {  	s16 =	sshll.u32 s0, $0xA;
	s2 =	sadd.s32 s3, s2  }
0x8d: {  	s2 =	sadd.s32 s2, s16  }
0x8e: {  	[smem:$0x3FC6] =	sst s2  }
0x8f: {  	_ = 	snop  }
0x90: {  	(tm) =	ssettm $0x1  }
0x91: {  	s17 =	sld [smem:$0x3FFB];
	_ =	sdelay $0x3  }
0x92: {  	_ =	strace s17  }
0x93: {  	s2 =	sld [smem:$0x3FFC];
	_ =	sdelay $0x3  }
0x94: {  	_ =	strace s2  }
0x95: {  	s2 =	sld [smem:$0x3FFD];
	_ =	sdelay $0x3  }
0x96: {  	_ =	strace s2  }
0x97: {  	_ =	strace $0x8FFFFFFF  }
0x98: {  	s18 =	sld [smem:$0x3FDB];
	_ =	sdelay $0x1  }
0x99: {  	s19 =	simm.s32 $_scs_section_size  }
0x9a: {  	s4 =	simm.s32 $_size__tile_overlayer_lowered;
	s5 =	simm.s32 $_tile_overlayer_lowered  }
0x9b: {  	s22 =	simm.s32 $0x1BFF;
	s21 =	sshll.u32 s5, $0x1;
	s2 =	sadd.s32 s19, s18  }
0x9c: {  	s6 =	simm.s32 $0x0;
	s20 =	sshll.u32 s4, $0x1;
	s4 =	sadd.s32 s21, s2  }
0x9d: {  	[timem:s6], [sflag:s22] =	dma.local [hbm:s4], s20  }
0x9e: {  	_ =	swait.ge [sflag:s22], s20  }
0x9f: {  	s3 =	ssub.s32 $0x0, s20;
	[sflag:s22] =	ssyncset.done $0x0  }
0xa0: {  	[sflag:s22] =	ssyncadd.s32 s3;
	_ =	sdelay $0x1  }
0xa1: {  	s23 =	simm.s32 $0x1B8B  }
0xa2: {  	_ =	swait.ge [sflag:s23], $0x1  }
0xa3: {  	[sflag:s23] =	ssyncset.done $0x0  }
0xa4: {  	s25 =	simm.s32 $0x1B8E;
	s24 =	sld [smem:$0x3FFE];
	[sflag:s23] =	ssyncadd.s32 $0xFFFFFFFF  }
0xa5: {  	s26 =	simm.s32 $execute0_lowered;
	[smem:$0x3FD2] =	sst s25  }
0xa6: {  	s4 =	sshll.u32 s26, $0x1;
	_ =	strace $0x80000046;
	[dreg:$0x1] =	wrdreg $0xFFFFFFFF  }
0xa7: {  	s28 =	simm.s32 $_size_execute0_lowered;
	s2 =	sadd.s32 s2, s4;
	[dreg:$0x0] =	wrdreg $0x0  }
0xa8: {  	s4 =	sshll.u32 s28, $0x1;
	[dreg:$0x2] =	wrdreg s2  }
0xa9: {  	[dreg:$0x3] =	wrdreg s4  }
0xaa: {  	[dreg:$0x4] =	wrdreg $0xC0  }
0xab: {  	_ =	task [dreg:s6], $0x5FFFF  }
0xac: {  	[dreg:$0x1] =	wrdreg $0xFFFFFFFF  }
0xad: {  	[dreg:$0x0] =	wrdreg $0x60  }
0xae: {  	[dreg:$0x2] =	wrdreg s24  }
0xaf: {  	[dreg:$0x3] =	wrdreg $0x9  }
0xb0: {  	_ =	task.clear_ibuf [dreg:s6], $0x4FFFF;
	_ =	strace $0x90000046  }
0xb1: {  	s29 =	simm.s32 $0x9;
	_ =	strace $0x80000048  }
0xb2: {  	_ =	swait.ge [sflag:s29], $0x1  }
0xb3: {  	[sflag:s29] =	ssyncadd.s32 $0xFFFFFFFF  }
0xb4: {  	_ =	strace $0x90000048  }
0xb5: {  	_ =	sfence  }
0xb6: {  	s30 =	sld [smem:$0x0];
	_ =	sdelay $0x2  }
0xb7: {  	s31 =	sshll.u32 s1, $0xD;
	s1 =	sshrl.u32 s1, $0x2  }
0xb8: {  	s3 =	sand.u32 $0x4000, s31;
	s1 =	sadd.s32 s1, s30  }
0xb9: {  	s0 =	sor.u32 s3, s0;
	s1 =	sshll.u32 s1, $0x11  }
0xba: {  	s0 =	sor.u32 s1, s0  }
0xbb: {  	s0 =	sadd.s32 $0x8F2B, s0  }
0xbc: {  	[sflag:s0] =	ssyncadd.remote.s32 $0x1  }
0xbd: {  	_ =	sfence.sel $0xFFFF  }
0xbe: {  	[dreg:$0x0] =	wrdreg $0xFFFFFFFF;
	(pc) =	sbr.abs _section_cstart, $3  }
0xbf: {  	[dreg:$0x1] =	wrdreg $0xFFFFFFFF  }
0xc0: {  	_ =	task.clear_ibuf [dreg:s6], $0x2FFFF;
	_ =	strace $0x9FFFFFFF  }
0xc1: {  	(tm) =	ssettm $0x7FFFFFFF  }
tec
execute0_lowered:
.L_overlay_start_1:
0x0: {  	(tag) =	ssettag $0x1  }
0x1: {  	s1 =	srdreg.scid;
	s0 =	stileid.u32  }
0x2: {  	s17 =	sand.u32 $0x1, s1;
	s31 =	sshll.u32 s0, $0x1  }
0x3: {  	s11 =	sor.u32 s17, s31  }
0x4: {  	s10 =	rddreg [dreg:$0x0];
	s2 =	simm.s32 $0x0;
	s3 =	sshll.u32 s11, $0x6  }
0x5: {  	s4 =	simm.s32 $0x5;
	[smem:$0x7FF] =	sst s2;
	s12 =	sadd.s32 s3, s10  }
0x6: {  	s1 =	rddreg [dreg:$0x1];
	_ =	strace $0x80000047;
	s3 =	sadd.s32 $0x5A00, s12  }
0x7: {  	[tilespmem:s2], [sflag:$0x5] =	stream.linear.gather [hbm4b:s3+s2], $0x100, $0x38;
	[tilespmem:$0x10200] =	vst v63  }
0x8: {  	_ =	swait.ge [sflag:s4], $0x100  }
0x9: {  	s6 =	simm.s32 $0x80;
	[sflag:s4] =	ssyncset.done $0x0  }
0xa: {  	s7 =	simm.s32 $0x200;
	s5 =	sadd.s32 $0x1A00, s10;
	[sflag:s4] =	ssyncadd.s32 $0xFFFFFF00  }
0xb: {  	[tilespmem:s7], [sflag:$0x1] =	stream.indirect.gather [hbm4b:s5+s6], $0x80, s2, s6, $0xb8;
	[tilespmem:$0x10200] =	vst v63  }
0xc: {  	s8 =	simm.s32 $0x4200;
	s9 =	simm.s32 $0x1  }
0xd: {  	[tilespmem:s8], [sflag:$0x1] =	stream.indirect.gather [hbm4b:s5+s6], $0x80, s6, s6, $0xb8;
	[tilespmem:$0x10200] =	vst v63  }
0xe: {  	_ =	swait.ge [sflag:s9], $0x4000  }
0xf: {  	[sflag:s9] =	ssyncset.done $0x0  }
0x10: {  	[sflag:s9] =	ssyncadd.s32 $0xFFFFC000  }
0x11: {  	s11 =	sshll.u32 s11, $0xD;
	_ =	swait.ge [sflag:s9], $0x4000  }
0x12: {  	s18 =	sadd.s32 s11, s10;
	[sflag:s9] =	ssyncset.done $0x0  }
0x13: {  	s10 =	sadd.s32 $0x7A00, s18;
	[sflag:s9] =	ssyncadd.s32 $0xFFFFC000  }
0x14: {  	[hbm4b:s10+s2] =	stream.linear.scatter [tilespmem:s7], [sflag:$0x3], $0x8000, $0x38;
	[tilespmem:$0x10200] =	vst v63  }
0x15: {  	s11 =	sadd.s32 $0x5A20, s12;
	s12 =	simm.s32 $0x100  }
0x16: {  	[tilespmem:s12], [sflag:$0x5] =	stream.linear.gather [hbm4b:s11+s2], $0x100, $0x38;
	[tilespmem:$0x10200] =	vst v63  }
0x17: {  	_ =	swait.ge [sflag:s4], $0x100  }
0x18: {  	[sflag:s4] =	ssyncset.done $0x0  }
0x19: {  	s13 =	simm.s32 $0x8200;
	[sflag:s4] =	ssyncadd.s32 $0xFFFFFF00  }
0x1a: {  	[tilespmem:s13], [sflag:$0x2] =	stream.indirect.gather [hbm4b:s5+s6], $0x80, s12, s6, $0xb8;
	[tilespmem:$0x10200] =	vst v63  }
0x1b: {  	s14 =	simm.s32 $0x180;
	s15 =	simm.s32 $0xC200;
	s16 =	simm.s32 $0x2  }
0x1c: {  	[tilespmem:s15], [sflag:$0x2] =	stream.indirect.gather [hbm4b:s5+s6], $0x80, s14, s6, $0xb8;
	[tilespmem:$0x10200] =	vst v63  }
0x1d: {  	_ =	swait.ge [sflag:s16], $0x4000  }
0x1e: {  	s19 =	ssub.s32 $0x2, s17;
	[sflag:s16] =	ssyncset.done $0x0  }
0x1f: {  	s20 =	sshrl.u32 s19, $0x1;
	[sflag:s16] =	ssyncadd.s32 $0xFFFFC000  }
0x20: {  	s19 =	ssub.s32 s19, s20;
	_ =	swait.ge [sflag:s16], $0x4000  }
0x21: {  	s17 =	sadd.s32 $0x8A00, s18;
	s20 =	smax.u32 s19, $0x1;
	[sflag:s16] =	ssyncset.done $0x0  }
0x22: {  	s18 =	simm.s32 $0x3;
	p0 =	sne.s32 s20, $0x1;
	[sflag:s16] =	ssyncadd.s32 $0xFFFFC000  }
0x23: {  	[hbm4b:s17+s2] =	stream.linear.scatter [tilespmem:s13], [sflag:$0x4], $0x8000, $0x38;
	[tilespmem:$0x10200] =	vst v63  }
.Ltmp0:
0x24: {  	_ =	swait.ge [sflag:s18], $0x8000;
	(pc) =	sbr.rel @!p0 .LBB2_2-.Ltmp0, $4  }
0x25: {  	[sflag:s18] =	ssyncset.done $0x0  }
0x26: {  	s19 =	simm.s32 $0x4;
	[sflag:s18] =	ssyncadd.s32 $0xFFFF8000  }
0x27: {  	_ =	swait.ge [sflag:s19], $0x8000  }
0x28: {  	s20 =	sadd.s32 $0xFFFFFFFF, s20;
	[sflag:s19] =	ssyncset.done $0x0  }
.LBB2_1:
0x29: {  	p0 =	sne.s32 s20, $0x1;
	s20 =	sadd.s32 $0xFFFFFFFF, s20;
	[sflag:s19] =	ssyncadd.s32 $0xFFFF8000  }
0x2a: {  	[tilespmem:s2], [sflag:$0x5] =	stream.linear.gather [hbm4b:s3+s2], $0x100, $0x38;
	[tilespmem:$0x10200] =	vst v63  }
0x2b: {  	_ =	swait.ge [sflag:s4], $0x100  }
0x2c: {  	[sflag:s4] =	ssyncset.done $0x0  }
0x2d: {  	[sflag:s4] =	ssyncadd.s32 $0xFFFFFF00  }
0x2e: {  	[tilespmem:s7], [sflag:$0x1] =	stream.indirect.gather [hbm4b:s5+s6], $0x80, s2, s6, $0xb8;
	[tilespmem:$0x10200] =	vst v63  }
0x2f: {  	_ = 	snop  }
0x30: {  	[tilespmem:s8], [sflag:$0x1] =	stream.indirect.gather [hbm4b:s5+s6], $0x80, s6, s6, $0xb8;
	[tilespmem:$0x10200] =	vst v63  }
0x31: {  	_ =	swait.ge [sflag:s9], $0x4000  }
0x32: {  	[sflag:s9] =	ssyncset.done $0x0  }
0x33: {  	[sflag:s9] =	ssyncadd.s32 $0xFFFFC000  }
0x34: {  	_ =	swait.ge [sflag:s9], $0x4000  }
0x35: {  	[sflag:s9] =	ssyncset.done $0x0  }
0x36: {  	[sflag:s9] =	ssyncadd.s32 $0xFFFFC000  }
0x37: {  	[hbm4b:s10+s2] =	stream.linear.scatter [tilespmem:s7], [sflag:$0x3], $0x8000, $0x38;
	[tilespmem:$0x10200] =	vst v63  }
0x38: {  	_ = 	snop  }
0x39: {  	[tilespmem:s12], [sflag:$0x5] =	stream.linear.gather [hbm4b:s11+s2], $0x100, $0x38;
	[tilespmem:$0x10200] =	vst v63  }
0x3a: {  	_ =	swait.ge [sflag:s4], $0x100  }
0x3b: {  	[sflag:s4] =	ssyncset.done $0x0  }
0x3c: {  	[sflag:s4] =	ssyncadd.s32 $0xFFFFFF00  }
0x3d: {  	[tilespmem:s13], [sflag:$0x2] =	stream.indirect.gather [hbm4b:s5+s6], $0x80, s12, s6, $0xb8;
	[tilespmem:$0x10200] =	vst v63  }
0x3e: {  	_ = 	snop  }
0x3f: {  	[tilespmem:s15], [sflag:$0x2] =	stream.indirect.gather [hbm4b:s5+s6], $0x80, s14, s6, $0xb8;
	[tilespmem:$0x10200] =	vst v63  }
0x40: {  	_ =	swait.ge [sflag:s16], $0x4000  }
0x41: {  	[sflag:s16] =	ssyncset.done $0x0  }
0x42: {  	[sflag:s16] =	ssyncadd.s32 $0xFFFFC000  }
0x43: {  	_ =	swait.ge [sflag:s16], $0x4000  }
0x44: {  	[sflag:s16] =	ssyncset.done $0x0  }
0x45: {  	[sflag:s16] =	ssyncadd.s32 $0xFFFFC000  }
0x46: {  	[hbm4b:s17+s2] =	stream.linear.scatter [tilespmem:s13], [sflag:$0x4], $0x8000, $0x38;
	[tilespmem:$0x10200] =	vst v63  }
.Ltmp1:
0x47: {  	_ =	swait.ge [sflag:s18], $0x8000;
	(pc) =	sbr.rel @p0 .LBB2_1-.Ltmp1, $4  }
0x48: {  	[sflag:s18] =	ssyncset.done $0x0  }
0x49: {  	[sflag:s18] =	ssyncadd.s32 $0xFFFF8000  }
0x4a: {  	_ =	swait.ge [sflag:s19], $0x8000  }
0x4b: {  	[sflag:s19] =	ssyncset.done $0x0  }
.LBB2_2:
0x4c: {  	[sflag:s19] =	ssyncadd.s32 $0xFFFF8000  }
0x4d: {  	_ =	sfence.sel $0x180000  }
0x4e: {  	[bflag:$0x0] =	sbarrier.arrive $0xFFFF  }
0x4f: {  	p0 =	sne.s32 s0, $0x0;
	_ =	strace $0x90000047  }
0x50: {  	s0 =	sadd.s32 @!p0 $0x100000, s1;
	[bflag:$0x2] =	sbarrier.arrive $0xFFFF  }
0x51: {  	[sflag:s0] =	ssyncadd.tile.s32 @!p0 $0x1;
	_ =	shalt  }
.Lfunc_end2:
_tile_overlayer_lowered:
.L_overlay_start_2:
0x52: {  	(tag) =	ssettag $0x2  }
0x53: {  	s0 =	rddreg [dreg:$0x0];
	s2 =	stileid.u32  }
0x54: {  	s1 =	rddreg [dreg:$0x1];
	p0 =	sne.s32 s2, $0x0  }
0x55: {  	s3 =	rddreg [dreg:$0x2];
	[bflag:$0x3] =	sbarrier.arrive $0xFFFF;
	s2 =	simm.s32 @!p0 $0x1C05  }
0x56: {  	[timem:s3], [sflag:s2] =	dma.local @!p0 [hbm:s0], s1  }
0x57: {  	s0 =	simm.s32 @!p0 $0x5  }
0x58: {  	_ =	swait.ge @!p0 [sflag:s0], s1  }
0x59: {  	s1 =	ssub.s32 @!p0 $0x0, s1;
	[sflag:s0] =	ssyncset.done @!p0 $0x0  }
0x5a: {  	[sflag:s0] =	ssyncadd.s32 @!p0 s1  }
0x5b: {  	[bflag:$0x3] =	sbarrier.arrive $0xFFFF  }
0x5c: {  	_ =	shalt  }

</sc_bundles>
